<compile_context>
chip_gen: v7x
topology: tpu7x:2x2x1
jax: 0.10.2.dev20260603
libtpu: 0.0.44.dev20260713+nightly
codegen_flags: <defaults>
</compile_context>

<pallas_src>
import functools

import jax
import jax.numpy as jnp
from jax import lax
from jax.experimental import pallas as pl
from jax.experimental.pallas import tpu as pltpu
from jax.experimental.pallas import tpu_sc as plsc

_NC = 2
_NS = 16
_CW = 128
_TCB = 1000


def _edge_geom(N, E):
  EP = E // _NS
  RTF = EP // _CW
  TAIL = EP - RTF * _CW
  RTP = RTF + (1 if TAIL else 0)
  NRS = (N // _NS) // 8 * 8
  NRL = N - NRS * (_NS - 1)
  return EP, RTF, TAIL, RTP, NRS, NRL


def _make_deg(N, E):
  _, RTF, TAIL, RTP, NRS, NRL = _edge_geom(N, E)
  ZR = 128
  mesh = plsc.VectorSubcoreMesh(core_axis_name="c", subcore_axis_name="s")

  @functools.partial(
      pl.kernel,
      out_type=jax.ShapeDtypeStruct((N, 16), jnp.float32),
      mesh=mesh,
      scratch_types=[
          pltpu.VMEM_SHARED((N, 16), jnp.float32),
          pltpu.VMEM((RTP, _CW), jnp.int32),
          pltpu.VMEM((_CW, 16), jnp.float32),
          pltpu.VMEM((ZR, 16), jnp.float32),
      ],
  )
  def deg_kernel(dst_hbm, tab_hbm, tab_s, idx_v, ones_v, zero_v):
    c = lax.axis_index("c")
    s = lax.axis_index("s")

    @pl.when(c == 0)
    def _():
      one = jnp.full((16,), 1.0, jnp.float32)
      zero = jnp.zeros((16,), jnp.float32)

      def fill(i, carry):
        ones_v[i] = one
        zero_v[i] = zero
        return carry
      lax.fori_loop(0, _CW, fill, 0)

      def zchunk(f, carry):
        pltpu.sync_copy(zero_v, tab_s.at[pl.ds(s * NRS + f * ZR, ZR)])
        return carry
      lax.fori_loop(0, NRL // ZR, zchunk, 0)

      plsc.subcore_barrier()
      pltpu.sync_copy(dst_hbm.at[s], idx_v)

      def chunk(j, carry):
        pltpu.sync_copy(ones_v, tab_s.at[idx_v.at[j]], add=True)
        return carry
      lax.fori_loop(0, RTF, chunk, 0)

      for t in range(TAIL // 16):
        dt = idx_v[RTF, pl.ds(t * 16, 16)]
        pltpu.sync_copy(ones_v.at[pl.ds(0, 16)], tab_s.at[dt], add=True)

      plsc.subcore_barrier()
      pltpu.sync_copy(tab_s.at[pl.ds(s * NRS, NRL)],
                      tab_hbm.at[pl.ds(s * NRS, NRL)])

  return deg_kernel


def _make_tc(N, D, DH):
  B = _TCB
  NB = N // B

  def tc_body(x_ref, w_ref, tab_ref, g_ref, dinv_ref):
    deg = tab_ref[:, 0] + 1.0
    dv = lax.rsqrt(deg)
    h = jnp.dot(x_ref[...], w_ref[...], preferred_element_type=jnp.float32)
    g_ref[...] = h * dv[:, None]
    dinv_ref[...] = jnp.broadcast_to(dv[:, None], dv.shape + (16,))

  return pl.pallas_call(
      tc_body,
      grid=(_NC, NB),
      in_specs=[
          pl.BlockSpec((B, D), lambda h, i: (i, 0)),
          pl.BlockSpec((D, DH), lambda h, i: (0, h)),
          pl.BlockSpec((B, 16), lambda h, i: (i, 0)),
      ],
      out_specs=[
          pl.BlockSpec((B, DH), lambda h, i: (h * NB + i, 0)),
          pl.BlockSpec((B, 16), lambda h, i: (i, 0)),
      ],
      out_shape=[
          jax.ShapeDtypeStruct((_NC * N, DH), jnp.float32),
          jax.ShapeDtypeStruct((N, 16), jnp.float32),
      ],
      compiler_params=pltpu.CompilerParams(
          dimension_semantics=("arbitrary", "arbitrary")),
  )


def _make_agg(N, E, DH):
  _, RTF, TAIL, RTP, NRS, NRL = _edge_geom(N, E)
  RC = 40
  NF = NRL // RC
  mesh = plsc.VectorSubcoreMesh(core_axis_name="c", subcore_axis_name="s")

  @functools.partial(
      pl.kernel,
      out_type=jax.ShapeDtypeStruct((_NC, N, DH), jnp.float32),
      mesh=mesh,
      scratch_types=[
          pltpu.VMEM_SHARED((N, DH), jnp.float32),
          pltpu.VMEM((RTP, _CW), jnp.int32),
          pltpu.VMEM((RTP, _CW), jnp.int32),
          pltpu.VMEM((_CW, DH), jnp.float32),
          pltpu.VMEM((RC, DH), jnp.float32),
          pltpu.VMEM((RC, 16), jnp.float32),
          pltpu.VMEM((DH,), jnp.float32),
          pltpu.SemaphoreType.DMA,
      ],
  )
  def agg_kernel(g_hbm, src_hbm, dst_hbm, dinv_hbm, b_hbm, out_hbm,
                 acc_s, src_v, dst_v, row_v, fin_v, dinv_v, b_v, gsem):
    c = lax.axis_index("c")
    s = lax.axis_index("s")
    r0 = s * NRS

    def initchunk(f, carry):
      fr = r0 + f * RC
      pltpu.sync_copy(g_hbm.at[pl.ds(c * N + fr, RC)], fin_v)
      pltpu.sync_copy(fin_v, acc_s.at[pl.ds(fr, RC)])
      return carry
    lax.fori_loop(0, NRL // RC, initchunk, 0)

    pltpu.sync_copy(src_hbm.at[s], src_v)
    pltpu.sync_copy(dst_hbm.at[s], dst_v)
    pltpu.sync_copy(b_hbm.at[c], b_v)

    bias = c * N
    NV = _CW // 16

    def bias_row(t, carry):
      i = t // NV
      k = t - i * NV
      sl = pl.ds(pl.multiple_of(k * 16, 16), 16)
      src_v[i, sl] = src_v[i, sl] + bias
      return carry
    lax.fori_loop(0, RTP * NV, bias_row, 0)

    plsc.subcore_barrier()

    def chunk(j, carry):
      pltpu.async_copy(g_hbm.at[src_v.at[j]], row_v, gsem).wait()
      pltpu.sync_copy(row_v, acc_s.at[dst_v.at[j]], add=True)
      return carry
    lax.fori_loop(0, RTF, chunk, 0)

    for t in range(TAIL // 16):
      st = src_v[RTF, pl.ds(t * 16, 16)]
      dt = dst_v[RTF, pl.ds(t * 16, 16)]
      tbuf = row_v.at[pl.ds(0, 16)]
      pltpu.async_copy(g_hbm.at[st], tbuf, gsem).wait()
      pltpu.sync_copy(tbuf, acc_s.at[dt], add=True)

    plsc.subcore_barrier()

    bvs = [b_v[pl.ds(k * 16, 16)] for k in range(DH // 16)]

    def finchunk(f, carry):
      fr = r0 + f * RC
      pltpu.sync_copy(acc_s.at[pl.ds(fr, RC)], fin_v)
      pltpu.sync_copy(dinv_hbm.at[pl.ds(fr, RC)], dinv_v)

      def row(i, icarry):
        dv = dinv_v[i]
        for k in range(DH // 16):
          sl = pl.ds(k * 16, 16)
          fin_v[i, sl] = jnp.maximum(fin_v[i, sl] * dv + bvs[k], 0.0)
        return icarry
      lax.fori_loop(0, RC, row, 0)

      pltpu.sync_copy(fin_v, out_hbm.at[c, pl.ds(fr, RC)])
      return carry
    lax.fori_loop(0, NF, finchunk, 0)

  return agg_kernel


def kernel(x, edge_index, W, b):
  N, D = x.shape
  DO = W.shape[1]
  E = edge_index.shape[1]
  DH = DO // _NC
  EP, RTF, TAIL, RTP, _, _ = _edge_geom(N, E)
  ei = edge_index.astype(jnp.int32).reshape(2, _NS, EP)
  pad = RTP * _CW - EP
  if pad:
    ei = jnp.pad(ei, ((0, 0), (0, 0), (0, pad)))
  src2 = ei[0].reshape(_NS, RTP, _CW)
  dst2 = ei[1].reshape(_NS, RTP, _CW)
  b2 = b.reshape(_NC, DH)

  tab = _make_deg(N, E)(dst2)
  g, dinv = _make_tc(N, D, DH)(x, W, tab)
  out3 = _make_agg(N, E, DH)(g, src2, dst2, dinv, b2)
  return jnp.concatenate([out3[0], out3[1]], axis=1)

# --- scband reference (transcript-rebuilt; emitter-appended) ---
"""Pipeline reference for scband-basic-block-38826504356498 (READ-ONLY COPY).

The authoritative reference and input builder live on the scoring server;
editing this copy changes nothing except your own understanding.
"""

import jax, jax.numpy as jnp
import numpy as np

N_NODES = 10000
N_EDGES = 160000
D_IN = 256
D_OUT = 256


def setup_inputs(seed: int = 0) -> dict:
    key = jax.random.key(seed)
    k1, k2, k3, k4 = jax.random.split(key, 4)
    x = jax.random.normal(k1, (N_NODES, D_IN), dtype=jnp.float32)
    edge_index = jax.random.randint(k2, (2, N_EDGES), 0, N_NODES, dtype=jnp.int64)
    # GCNConv learned params (glorot weight, zero bias like PyG defaults)
    limit = float(np.sqrt(6.0 / (D_IN + D_OUT)))
    W = jax.random.uniform(k3, (D_IN, D_OUT), dtype=jnp.float32, minval=-limit, maxval=limit)
    b = jnp.zeros((D_OUT,), dtype=jnp.float32)
    return {"x": x, "edge_index": edge_index, "W": W, "b": b}


def reference(x, edge_index, W, b):
    # Faithful GCNConv (add_self_loops=True, normalize=True, symmetric D^-1/2 (A+I) D^-1/2)
    N = x.shape[0]
    src = edge_index[0]
    dst = edge_index[1]
    loop = jnp.arange(N, dtype=edge_index.dtype)
    src2 = jnp.concatenate([src, loop])
    dst2 = jnp.concatenate([dst, loop])
    # degree over destination nodes (including self loops)
    deg = jax.ops.segment_sum(jnp.ones(src2.shape[0], dtype=x.dtype), dst2, num_segments=N)
    dinv = jnp.where(deg > 0, jax.lax.rsqrt(deg), 0.0)
    norm = dinv[src2] * dinv[dst2]
    # linear transform then gather-message-scatter
    h = x @ W
    msg = h[src2] * norm[:, None]
    out = jax.ops.segment_sum(msg, dst2, num_segments=N) + b
    # ReLU; Dropout is identity in eval mode
    return jax.nn.relu(out)

if __name__ == "__main__":
    import jax
    _d = setup_inputs()
    print(jax.jit(kernel)(*tuple(_d.values())))

</pallas_src>

<mosaic_0001>
#map = affine_map<(d0, d1) -> (0, 0, 0)>
#map1 = affine_map<(d0, d1) -> (0, 0)>
module attributes {stable_mosaic.version = 14 : i64} {
  func.func @deg_kernel(%arg0: i32, %arg1: i32, %arg2: memref<16x79x128xi32, #tpu.memory_space<hbm>>, %arg3: memref<10000x16xf32, #tpu.memory_space<hbm>>, %arg4: memref<10000x16xf32, #tpu.memory_space<vmem_shared>>, %arg5: memref<79x128xi32, #tpu.memory_space<vmem>>, %arg6: memref<128x16xf32, #tpu.memory_space<vmem>>, %arg7: memref<128x16xf32, #tpu.memory_space<vmem>>) attributes {dimension_semantics = [#tpu.dimension_semantics<core_parallel>, #tpu.dimension_semantics<subcore_parallel>], iteration_bounds = array<i64: 2, 16>, scalar_prefetch = 0 : i64, scratch_operands = 4 : i64, tpu.core_type = #tpu.core_type<sc_vector_subcore>, window_params = [{transform_indices = #map}, {transform_indices = #map1}]} {
    %eq3A = arith.constant 0 : i32
    %eq3A_0 = arith.cmpi eq, %arg0, %eq3A : i32
    %convert_element_type3A = arith.extui %eq3A_0 : i1 to i32
    %cond3A = arith.constant 0 : i32
    %cond3A_1 = arith.cmpi ne, %convert_element_type3A, %cond3A : i32
    scf.if %cond3A_1 {
      %broadcast_in_dim3A = arith.constant 1.000000e+00 : f32
      %broadcast_in_dim3A_2 = vector.broadcast %broadcast_in_dim3A : f32 to vector<16xf32>
      %broadcast_in_dim3A_3 = arith.constant 0.000000e+00 : f32
      %broadcast_in_dim3A_4 = vector.broadcast %broadcast_in_dim3A_3 : f32 to vector<16xf32>
      %scan3A = arith.constant 0 : i32
      %scan3A_5 = arith.constant 0 : i32
      %scan3A_6 = arith.constant 128 : i32
      %scan3A_7 = arith.addi %scan3A_5, %scan3A_6 : i32
      %scan3A_8 = arith.constant 1 : i32
      scf.for %scan3A_30 = %scan3A_5 to %scan3A_7 step %scan3A_8  : i32 {
        %swap3A = arith.index_cast %scan3A_30 : i32 to index
        %swap3A_31 = arith.constant 0 : index
        %swap3A_32 = tpu.vector_load %arg6[%swap3A, %swap3A_31] {strides = array<i32>} : memref<128x16xf32, #tpu.memory_space<vmem>>, vector<1x16xf32>,
        %swap3A_33 = vector.shape_cast %swap3A_32 : vector<1x16xf32> to vector<16xf32>
        %swap3A_34 = vector.shape_cast %broadcast_in_dim3A_2 : vector<16xf32> to vector<1x16xf32>
        tpu.vector_store %arg6[%swap3A, %swap3A_31], %swap3A_34 {strides = array<i32>} : memref<128x16xf32, #tpu.memory_space<vmem>>, vector<1x16xf32>,
        %swap3A_35 = arith.index_cast %scan3A_30 : i32 to index
        %swap3A_36 = arith.constant 0 : index
        %swap3A_37 = tpu.vector_load %arg7[%swap3A_35, %swap3A_36] {strides = array<i32>} : memref<128x16xf32, #tpu.memory_space<vmem>>, vector<1x16xf32>,
        %swap3A_38 = vector.shape_cast %swap3A_37 : vector<1x16xf32> to vector<16xf32>
        %swap3A_39 = vector.shape_cast %broadcast_in_dim3A_4 : vector<16xf32> to vector<1x16xf32>
        tpu.vector_store %arg7[%swap3A_35, %swap3A_36], %swap3A_39 {strides = array<i32>} : memref<128x16xf32, #tpu.memory_space<vmem>>, vector<1x16xf32>,
      }
      %scan3A_9 = arith.constant 128 : i32
      %scan3A_10 = arith.constant 0 : i32
      %scan3A_11 = arith.constant 0 : i32
      %scan3A_12 = arith.constant 5 : i32
      %scan3A_13 = arith.addi %scan3A_11, %scan3A_12 : i32
      %scan3A_14 = arith.constant 1 : i32
      scf.for %scan3A_30 = %scan3A_11 to %scan3A_13 step %scan3A_14  : i32 {
        %mul3A_31 = arith.constant 624 : i32
        %mul3A_32 = arith.muli %arg1, %mul3A_31 : i32
        %mul3A_33 = arith.constant 128 : i32
        %mul3A_34 = arith.muli %scan3A_30, %mul3A_33 : i32
        %add3A = arith.addi %mul3A_32, %mul3A_34 : i32
        "tpu.region"() ({
          %run_scoped3A = tpu.sem_alloc : memref<!tpu.dma_semaphore, #tpu.memory_space<semaphore_mem>>
          %dma_start3A = arith.constant 0 : i32
          %dma_start3A_35 = tpu.memref_slice %arg4[%add3A, %dma_start3A] : memref<10000x16xf32, #tpu.memory_space<vmem_shared>> -> memref<128x16xf32, #tpu.memory_space<vmem_shared>>
          %dma_start3A_36 = arith.constant 0 : i32
          %dma_start3A_37 = tpu.memref_slice %arg4[%add3A, %dma_start3A_36] : memref<10000x16xf32, #tpu.memory_space<vmem_shared>> -> memref<128x16xf32, #tpu.memory_space<vmem_shared>>
          tpu.enqueue_dma source(%arg7 : memref<128x16xf32, #tpu.memory_space<vmem>>) target(%dma_start3A_37 : memref<128x16xf32, #tpu.memory_space<vmem_shared>>) target_semaphore(%run_scoped3A : memref<!tpu.dma_semaphore, #tpu.memory_space<semaphore_mem>>)
          %dma_wait3A = arith.constant 0 : i32
          %dma_wait3A_38 = tpu.memref_slice %arg4[%add3A, %dma_wait3A] : memref<10000x16xf32, #tpu.memory_space<vmem_shared>> -> memref<128x16xf32, #tpu.memory_space<vmem_shared>>
          %dma_wait3A_39 = arith.constant 0 : i32
          %dma_wait3A_40 = tpu.memref_slice %arg4[%add3A, %dma_wait3A_39] : memref<10000x16xf32, #tpu.memory_space<vmem_shared>> -> memref<128x16xf32, #tpu.memory_space<vmem_shared>>
          tpu.wait_dma2 semaphore(%run_scoped3A : memref<!tpu.dma_semaphore, #tpu.memory_space<semaphore_mem>>) src(%arg7 : memref<128x16xf32, #tpu.memory_space<vmem>>) dst(%dma_wait3A_40 : memref<128x16xf32, #tpu.memory_space<vmem_shared>>)
          tpu.yield
        }) : () -> ()
      }
      %scan3A_15 = arith.constant 5 : i32
      %barrier3A = arith.constant 0 : index
      tpu.barrier barrier_id(%barrier3A)
      "tpu.region"() ({
        %run_scoped3A = tpu.sem_alloc : memref<!tpu.dma_semaphore, #tpu.memory_space<semaphore_mem>>
        %dma_start3A = arith.constant 0 : i32
        %dma_start3A_30 = arith.constant 0 : i32
        %dma_start3A_31 = tpu.memref_slice %arg2[%arg1, %dma_start3A, %dma_start3A_30] : memref<16x79x128xi32, #tpu.memory_space<hbm>> -> memref<1x79x128xi32, #tpu.memory_space<hbm>>
        %dma_start3A_32 = tpu.memref_squeeze %dma_start3A_31 : memref<1x79x128xi32, #tpu.memory_space<hbm>> -> memref<79x128xi32, #tpu.memory_space<hbm>>
        %dma_start3A_33 = arith.constant 0 : i32
        %dma_start3A_34 = arith.constant 0 : i32
        %dma_start3A_35 = tpu.memref_slice %arg2[%arg1, %dma_start3A_33, %dma_start3A_34] : memref<16x79x128xi32, #tpu.memory_space<hbm>> -> memref<1x79x128xi32, #tpu.memory_space<hbm>>
        %dma_start3A_36 = tpu.memref_squeeze %dma_start3A_35 : memref<1x79x128xi32, #tpu.memory_space<hbm>> -> memref<79x128xi32, #tpu.memory_space<hbm>>
        tpu.enqueue_dma source(%dma_start3A_36 : memref<79x128xi32, #tpu.memory_space<hbm>>) target(%arg5 : memref<79x128xi32, #tpu.memory_space<vmem>>) target_semaphore(%run_scoped3A : memref<!tpu.dma_semaphore, #tpu.memory_space<semaphore_mem>>)
        %dma_wait3A = arith.constant 0 : i32
        %dma_wait3A_37 = arith.constant 0 : i32
        %dma_wait3A_38 = tpu.memref_slice %arg2[%arg1, %dma_wait3A, %dma_wait3A_37] : memref<16x79x128xi32, #tpu.memory_space<hbm>> -> memref<1x79x128xi32, #tpu.memory_space<hbm>>
        %dma_wait3A_39 = tpu.memref_squeeze %dma_wait3A_38 : memref<1x79x128xi32, #tpu.memory_space<hbm>> -> memref<79x128xi32, #tpu.memory_space<hbm>>
        %dma_wait3A_40 = arith.constant 0 : i32
        %dma_wait3A_41 = arith.constant 0 : i32
        %dma_wait3A_42 = tpu.memref_slice %arg2[%arg1, %dma_wait3A_40, %dma_wait3A_41] : memref<16x79x128xi32, #tpu.memory_space<hbm>> -> memref<1x79x128xi32, #tpu.memory_space<hbm>>
        %dma_wait3A_43 = tpu.memref_squeeze %dma_wait3A_42 : memref<1x79x128xi32, #tpu.memory_space<hbm>> -> memref<79x128xi32, #tpu.memory_space<hbm>>
        tpu.wait_dma2 semaphore(%run_scoped3A : memref<!tpu.dma_semaphore, #tpu.memory_space<semaphore_mem>>) src(%dma_wait3A_43 : memref<79x128xi32, #tpu.memory_space<hbm>>) dst(%arg5 : memref<79x128xi32, #tpu.memory_space<vmem>>)
        tpu.yield
      }) : () -> ()
      %scan3A_16 = arith.constant 0 : i32
      %scan3A_17 = arith.constant 0 : i32
      %scan3A_18 = arith.constant 78 : i32
      %scan3A_19 = arith.addi %scan3A_17, %scan3A_18 : i32
      %scan3A_20 = arith.constant 1 : i32
      scf.for %scan3A_30 = %scan3A_17 to %scan3A_19 step %scan3A_20  : i32 {
        "tpu.region"() ({
          %run_scoped3A = tpu.sem_alloc : memref<!tpu.dma_semaphore, #tpu.memory_space<semaphore_mem>>
          %dma_start3A = arith.constant 0 : i32
          %dma_start3A_31 = tpu.memref_slice %arg5[%scan3A_30, %dma_start3A] : memref<79x128xi32, #tpu.memory_space<vmem>> -> memref<1x128xi32, #tpu.memory_space<vmem>>
          %dma_start3A_32 = tpu.memref_squeeze %dma_start3A_31 : memref<1x128xi32, #tpu.memory_space<vmem>> -> memref<128xi32, #tpu.memory_space<vmem>>
          %dma_start3A_33 = arith.constant 0 : i32
          %dma_start3A_34 = arith.constant 0 : i32
          %dma_start3A_35 = tpu.memref_slice %arg4[%dma_start3A_33, %dma_start3A_34] : memref<10000x16xf32, #tpu.memory_space<vmem_shared>> -> memref<10000x16xf32, #tpu.memory_space<vmem_shared>>
          tpu.enqueue_indirect_dma source(%arg6 : memref<128x16xf32, #tpu.memory_space<vmem>>) target(%dma_start3A_35 : memref<10000x16xf32, #tpu.memory_space<vmem_shared>>) offsets(%dma_start3A_32 : memref<128xi32, #tpu.memory_space<vmem>>) semaphore(%run_scoped3A : memref<!tpu.dma_semaphore, #tpu.memory_space<semaphore_mem>>) {add = true}
          %dma_wait3A = arith.constant 0 : i32
          %dma_wait3A_36 = tpu.memref_slice %arg5[%scan3A_30, %dma_wait3A] : memref<79x128xi32, #tpu.memory_space<vmem>> -> memref<1x128xi32, #tpu.memory_space<vmem>>
          %dma_wait3A_37 = tpu.memref_squeeze %dma_wait3A_36 : memref<1x128xi32, #tpu.memory_space<vmem>> -> memref<128xi32, #tpu.memory_space<vmem>>
          %dma_wait3A_38 = arith.constant 0 : i32
          %dma_wait3A_39 = arith.constant 0 : i32
          %dma_wait3A_40 = tpu.memref_slice %arg4[%dma_wait3A_38, %dma_wait3A_39] : memref<10000x16xf32, #tpu.memory_space<vmem_shared>> -> memref<10000x16xf32, #tpu.memory_space<vmem_shared>>
          tpu.wait_indirect_dma semaphore(%run_scoped3A : memref<!tpu.dma_semaphore, #tpu.memory_space<semaphore_mem>>) src(%arg6 : memref<128x16xf32, #tpu.memory_space<vmem>>) dst(%dma_wait3A_40 : memref<10000x16xf32, #tpu.memory_space<vmem_shared>>)
          tpu.yield
        }) : () -> ()
      }
      %scan3A_21 = arith.constant 78 : i32
      %get3A = arith.constant 78 : i32
      %get3A_22 = arith.index_cast %get3A : i32 to index
      %get3A_23 = arith.constant 0 : index
      %get3A_24 = tpu.vector_load %arg5[%get3A_22, %get3A_23] {strides = array<i32>} : memref<79x128xi32, #tpu.memory_space<vmem>>, vector<1x16xi32>,
      %get3A_25 = vector.shape_cast %get3A_24 : vector<1x16xi32> to vector<16xi32>
      "tpu.region"() ({
        %run_scoped3A = tpu.sem_alloc : memref<!tpu.dma_semaphore, #tpu.memory_space<semaphore_mem>>
        %dma_start3A = arith.constant 0 : i32
        %dma_start3A_30 = arith.constant 0 : i32
        %dma_start3A_31 = tpu.memref_slice %arg6[%dma_start3A, %dma_start3A_30] : memref<128x16xf32, #tpu.memory_space<vmem>> -> memref<16x16xf32, #tpu.memory_space<vmem>>
        %dma_start3A_32 = arith.constant 0 : i32
        %dma_start3A_33 = arith.constant 0 : i32
        %dma_start3A_34 = tpu.memref_slice %arg4[%dma_start3A_32, %dma_start3A_33] : memref<10000x16xf32, #tpu.memory_space<vmem_shared>> -> memref<10000x16xf32, #tpu.memory_space<vmem_shared>>
        tpu.enqueue_indirect_dma source(%dma_start3A_31 : memref<16x16xf32, #tpu.memory_space<vmem>>) target(%dma_start3A_34 : memref<10000x16xf32, #tpu.memory_space<vmem_shared>>) offsets(%get3A_25 : vector<16xi32>) semaphore(%run_scoped3A : memref<!tpu.dma_semaphore, #tpu.memory_space<semaphore_mem>>) {add = true}
        %dma_wait3A = arith.constant 0 : i32
        %dma_wait3A_35 = arith.constant 0 : i32
        %dma_wait3A_36 = tpu.memref_slice %arg6[%dma_wait3A, %dma_wait3A_35] : memref<128x16xf32, #tpu.memory_space<vmem>> -> memref<16x16xf32, #tpu.memory_space<vmem>>
        %dma_wait3A_37 = arith.constant 0 : i32
        %dma_wait3A_38 = arith.constant 0 : i32
        %dma_wait3A_39 = tpu.memref_slice %arg4[%dma_wait3A_37, %dma_wait3A_38] : memref<10000x16xf32, #tpu.memory_space<vmem_shared>> -> memref<10000x16xf32, #tpu.memory_space<vmem_shared>>
        tpu.wait_indirect_dma semaphore(%run_scoped3A : memref<!tpu.dma_semaphore, #tpu.memory_space<semaphore_mem>>) src(%dma_wait3A_36 : memref<16x16xf32, #tpu.memory_space<vmem>>) dst(%dma_wait3A_39 : memref<10000x16xf32, #tpu.memory_space<vmem_shared>>)
        tpu.yield
      }) : () -> ()
      %barrier3A_26 = arith.constant 0 : index
      tpu.barrier barrier_id(%barrier3A_26)
      %mul3A = arith.constant 624 : i32
      %mul3A_27 = arith.muli %arg1, %mul3A : i32
      %mul3A_28 = arith.constant 624 : i32
      %mul3A_29 = arith.muli %arg1, %mul3A_28 : i32
      "tpu.region"() ({
        %run_scoped3A = tpu.sem_alloc : memref<!tpu.dma_semaphore, #tpu.memory_space<semaphore_mem>>
        %dma_start3A = arith.constant 0 : i32
        %dma_start3A_30 = tpu.memref_slice %arg3[%mul3A_29, %dma_start3A] : memref<10000x16xf32, #tpu.memory_space<hbm>> -> memref<640x16xf32, #tpu.memory_space<hbm>>
        %dma_start3A_31 = arith.constant 0 : i32
        %dma_start3A_32 = tpu.memref_slice %arg4[%mul3A_27, %dma_start3A_31] : memref<10000x16xf32, #tpu.memory_space<vmem_shared>> -> memref<640x16xf32, #tpu.memory_space<vmem_shared>>
        tpu.enqueue_dma source(%dma_start3A_32 : memref<640x16xf32, #tpu.memory_space<vmem_shared>>) target(%dma_start3A_30 : memref<640x16xf32, #tpu.memory_space<hbm>>) target_semaphore(%run_scoped3A : memref<!tpu.dma_semaphore, #tpu.memory_space<semaphore_mem>>)
        %dma_wait3A = arith.constant 0 : i32
        %dma_wait3A_33 = tpu.memref_slice %arg3[%mul3A_29, %dma_wait3A] : memref<10000x16xf32, #tpu.memory_space<hbm>> -> memref<640x16xf32, #tpu.memory_space<hbm>>
        %dma_wait3A_34 = arith.constant 0 : i32
        %dma_wait3A_35 = tpu.memref_slice %arg4[%mul3A_27, %dma_wait3A_34] : memref<10000x16xf32, #tpu.memory_space<vmem_shared>> -> memref<640x16xf32, #tpu.memory_space<vmem_shared>>
        tpu.wait_dma2 semaphore(%run_scoped3A : memref<!tpu.dma_semaphore, #tpu.memory_space<semaphore_mem>>) src(%dma_wait3A_35 : memref<640x16xf32, #tpu.memory_space<vmem_shared>>) dst(%dma_wait3A_33 : memref<640x16xf32, #tpu.memory_space<hbm>>)
        tpu.yield
      }) : () -> ()
    } else {
    }
    return
  }
}

#map = affine_map<(d0, d1) -> (0, 0)>
#map1 = affine_map<(d0, d1) -> (0, 0, 0)>
module attributes {stable_mosaic.version = 14 : i64} {
  func.func @agg_kernel(%arg0: i32, %arg1: i32, %arg2: memref<20000x128xf32, #tpu.memory_space<hbm>>, %arg3: memref<16x79x128xi32, #tpu.memory_space<hbm>>, %arg4: memref<16x79x128xi32, #tpu.memory_space<hbm>>, %arg5: memref<10000x16xf32, #tpu.memory_space<hbm>>, %arg6: memref<2x128xf32, #tpu.memory_space<hbm>>, %arg7: memref<2x10000x128xf32, #tpu.memory_space<hbm>>, %arg8: memref<10000x128xf32, #tpu.memory_space<vmem_shared>>, %arg9: memref<79x128xi32, #tpu.memory_space<vmem>>, %arg10: memref<79x128xi32, #tpu.memory_space<vmem>>, %arg11: memref<128x128xf32, #tpu.memory_space<vmem>>, %arg12: memref<40x128xf32, #tpu.memory_space<vmem>>, %arg13: memref<40x16xf32, #tpu.memory_space<vmem>>, %arg14: memref<128xf32, #tpu.memory_space<vmem>>, %arg15: memref<!tpu.dma_semaphore, #tpu.memory_space<semaphore_mem>>) attributes {dimension_semantics = [#tpu.dimension_semantics<core_parallel>, #tpu.dimension_semantics<subcore_parallel>], iteration_bounds = array<i64: 2, 16>, scalar_prefetch = 0 : i64, scratch_operands = 8 : i64, tpu.core_type = #tpu.core_type<sc_vector_subcore>, window_params = [{transform_indices = #map}, {transform_indices = #map1}, {transform_indices = #map1}, {transform_indices = #map}, {transform_indices = #map}, {transform_indices = #map1}]} {
    %mul3A = arith.constant 624 : i32
    %mul3A_0 = arith.muli %arg1, %mul3A : i32
    %scan3A = arith.constant 0 : i32
    %scan3A_1 = arith.constant 0 : i32
    %scan3A_2 = arith.constant 16 : i32
    %scan3A_3 = arith.addi %scan3A_1, %scan3A_2 : i32
    %scan3A_4 = arith.constant 1 : i32
    scf.for %scan3A_70 = %scan3A_1 to %scan3A_3 step %scan3A_4  : i32 {
      %mul3A_71 = arith.constant 40 : i32
      %mul3A_72 = arith.muli %scan3A_70, %mul3A_71 : i32
      %add3A = arith.addi %mul3A_0, %mul3A_72 : i32
      %mul3A_73 = arith.constant 10000 : i32
      %mul3A_74 = arith.muli %arg0, %mul3A_73 : i32
      %add3A_75 = arith.addi %mul3A_74, %add3A : i32
      "tpu.region"() ({
        %run_scoped3A = tpu.sem_alloc : memref<!tpu.dma_semaphore, #tpu.memory_space<semaphore_mem>>
        %dma_start3A_76 = arith.constant 0 : i32
        %dma_start3A_77 = tpu.memref_slice %arg2[%add3A_75, %dma_start3A_76] : memref<20000x128xf32, #tpu.memory_space<hbm>> -> memref<40x128xf32, #tpu.memory_space<hbm>>
        %dma_start3A_78 = arith.constant 0 : i32
        %dma_start3A_79 = tpu.memref_slice %arg2[%add3A_75, %dma_start3A_78] : memref<20000x128xf32, #tpu.memory_space<hbm>> -> memref<40x128xf32, #tpu.memory_space<hbm>>
        tpu.enqueue_dma source(%dma_start3A_79 : memref<40x128xf32, #tpu.memory_space<hbm>>) target(%arg12 : memref<40x128xf32, #tpu.memory_space<vmem>>) target_semaphore(%run_scoped3A : memref<!tpu.dma_semaphore, #tpu.memory_space<semaphore_mem>>)
        %dma_wait3A_80 = arith.constant 0 : i32
        %dma_wait3A_81 = tpu.memref_slice %arg2[%add3A_75, %dma_wait3A_80] : memref<20000x128xf32, #tpu.memory_space<hbm>> -> memref<40x128xf32, #tpu.memory_space<hbm>>
        %dma_wait3A_82 = arith.constant 0 : i32
        %dma_wait3A_83 = tpu.memref_slice %arg2[%add3A_75, %dma_wait3A_82] : memref<20000x128xf32, #tpu.memory_space<hbm>> -> memref<40x128xf32, #tpu.memory_space<hbm>>
        tpu.wait_dma2 semaphore(%run_scoped3A : memref<!tpu.dma_semaphore, #tpu.memory_space<semaphore_mem>>) src(%dma_wait3A_83 : memref<40x128xf32, #tpu.memory_space<hbm>>) dst(%arg12 : memref<40x128xf32, #tpu.memory_space<vmem>>)
        tpu.yield
      }) : () -> ()
      "tpu.region"() ({
        %run_scoped3A = tpu.sem_alloc : memref<!tpu.dma_semaphore, #tpu.memory_space<semaphore_mem>>
        %dma_start3A_76 = arith.constant 0 : i32
        %dma_start3A_77 = tpu.memref_slice %arg8[%add3A, %dma_start3A_76] : memref<10000x128xf32, #tpu.memory_space<vmem_shared>> -> memref<40x128xf32, #tpu.memory_space<vmem_shared>>
        %dma_start3A_78 = arith.constant 0 : i32
        %dma_start3A_79 = tpu.memref_slice %arg8[%add3A, %dma_start3A_78] : memref<10000x128xf32, #tpu.memory_space<vmem_shared>> -> memref<40x128xf32, #tpu.memory_space<vmem_shared>>
        tpu.enqueue_dma source(%arg12 : memref<40x128xf32, #tpu.memory_space<vmem>>) target(%dma_start3A_79 : memref<40x128xf32, #tpu.memory_space<vmem_shared>>) target_semaphore(%run_scoped3A : memref<!tpu.dma_semaphore, #tpu.memory_space<semaphore_mem>>)
        %dma_wait3A_80 = arith.constant 0 : i32
        %dma_wait3A_81 = tpu.memref_slice %arg8[%add3A, %dma_wait3A_80] : memref<10000x128xf32, #tpu.memory_space<vmem_shared>> -> memref<40x128xf32, #tpu.memory_space<vmem_shared>>
        %dma_wait3A_82 = arith.constant 0 : i32
        %dma_wait3A_83 = tpu.memref_slice %arg8[%add3A, %dma_wait3A_82] : memref<10000x128xf32, #tpu.memory_space<vmem_shared>> -> memref<40x128xf32, #tpu.memory_space<vmem_shared>>
        tpu.wait_dma2 semaphore(%run_scoped3A : memref<!tpu.dma_semaphore, #tpu.memory_space<semaphore_mem>>) src(%arg12 : memref<40x128xf32, #tpu.memory_space<vmem>>) dst(%dma_wait3A_83 : memref<40x128xf32, #tpu.memory_space<vmem_shared>>)
        tpu.yield
      }) : () -> ()
    }
    %scan3A_5 = arith.constant 16 : i32
    "tpu.region"() ({
      %run_scoped3A = tpu.sem_alloc : memref<!tpu.dma_semaphore, #tpu.memory_space<semaphore_mem>>
      %dma_start3A_70 = arith.constant 0 : i32
      %dma_start3A_71 = arith.constant 0 : i32
      %dma_start3A_72 = tpu.memref_slice %arg3[%arg1, %dma_start3A_70, %dma_start3A_71] : memref<16x79x128xi32, #tpu.memory_space<hbm>> -> memref<1x79x128xi32, #tpu.memory_space<hbm>>
      %dma_start3A_73 = tpu.memref_squeeze %dma_start3A_72 : memref<1x79x128xi32, #tpu.memory_space<hbm>> -> memref<79x128xi32, #tpu.memory_space<hbm>>
      %dma_start3A_74 = arith.constant 0 : i32
      %dma_start3A_75 = arith.constant 0 : i32
      %dma_start3A_76 = tpu.memref_slice %arg3[%arg1, %dma_start3A_74, %dma_start3A_75] : memref<16x79x128xi32, #tpu.memory_space<hbm>> -> memref<1x79x128xi32, #tpu.memory_space<hbm>>
      %dma_start3A_77 = tpu.memref_squeeze %dma_start3A_76 : memref<1x79x128xi32, #tpu.memory_space<hbm>> -> memref<79x128xi32, #tpu.memory_space<hbm>>
      tpu.enqueue_dma source(%dma_start3A_77 : memref<79x128xi32, #tpu.memory_space<hbm>>) target(%arg9 : memref<79x128xi32, #tpu.memory_space<vmem>>) target_semaphore(%run_scoped3A : memref<!tpu.dma_semaphore, #tpu.memory_space<semaphore_mem>>)
      %dma_wait3A_78 = arith.constant 0 : i32
      %dma_wait3A_79 = arith.constant 0 : i32
      %dma_wait3A_80 = tpu.memref_slice %arg3[%arg1, %dma_wait3A_78, %dma_wait3A_79] : memref<16x79x128xi32, #tpu.memory_space<hbm>> -> memref<1x79x128xi32, #tpu.memory_space<hbm>>
      %dma_wait3A_81 = tpu.memref_squeeze %dma_wait3A_80 : memref<1x79x128xi32, #tpu.memory_space<hbm>> -> memref<79x128xi32, #tpu.memory_space<hbm>>
      %dma_wait3A_82 = arith.constant 0 : i32
      %dma_wait3A_83 = arith.constant 0 : i32
      %dma_wait3A_84 = tpu.memref_slice %arg3[%arg1, %dma_wait3A_82, %dma_wait3A_83] : memref<16x79x128xi32, #tpu.memory_space<hbm>> -> memref<1x79x128xi32, #tpu.memory_space<hbm>>
      %dma_wait3A_85 = tpu.memref_squeeze %dma_wait3A_84 : memref<1x79x128xi32, #tpu.memory_space<hbm>> -> memref<79x128xi32, #tpu.memory_space<hbm>>
      tpu.wait_dma2 semaphore(%run_scoped3A : memref<!tpu.dma_semaphore, #tpu.memory_space<semaphore_mem>>) src(%dma_wait3A_85 : memref<79x128xi32, #tpu.memory_space<hbm>>) dst(%arg9 : memref<79x128xi32, #tpu.memory_space<vmem>>)
      tpu.yield
    }) : () -> ()
    "tpu.region"() ({
      %run_scoped3A = tpu.sem_alloc : memref<!tpu.dma_semaphore, #tpu.memory_space<semaphore_mem>>
      %dma_start3A_70 = arith.constant 0 : i32
      %dma_start3A_71 = arith.constant 0 : i32
      %dma_start3A_72 = tpu.memref_slice %arg4[%arg1, %dma_start3A_70, %dma_start3A_71] : memref<16x79x128xi32, #tpu.memory_space<hbm>> -> memref<1x79x128xi32, #tpu.memory_space<hbm>>
      %dma_start3A_73 = tpu.memref_squeeze %dma_start3A_72 : memref<1x79x128xi32, #tpu.memory_space<hbm>> -> memref<79x128xi32, #tpu.memory_space<hbm>>
      %dma_start3A_74 = arith.constant 0 : i32
      %dma_start3A_75 = arith.constant 0 : i32
      %dma_start3A_76 = tpu.memref_slice %arg4[%arg1, %dma_start3A_74, %dma_start3A_75] : memref<16x79x128xi32, #tpu.memory_space<hbm>> -> memref<1x79x128xi32, #tpu.memory_space<hbm>>
      %dma_start3A_77 = tpu.memref_squeeze %dma_start3A_76 : memref<1x79x128xi32, #tpu.memory_space<hbm>> -> memref<79x128xi32, #tpu.memory_space<hbm>>
      tpu.enqueue_dma source(%dma_start3A_77 : memref<79x128xi32, #tpu.memory_space<hbm>>) target(%arg10 : memref<79x128xi32, #tpu.memory_space<vmem>>) target_semaphore(%run_scoped3A : memref<!tpu.dma_semaphore, #tpu.memory_space<semaphore_mem>>)
      %dma_wait3A_78 = arith.constant 0 : i32
      %dma_wait3A_79 = arith.constant 0 : i32
      %dma_wait3A_80 = tpu.memref_slice %arg4[%arg1, %dma_wait3A_78, %dma_wait3A_79] : memref<16x79x128xi32, #tpu.memory_space<hbm>> -> memref<1x79x128xi32, #tpu.memory_space<hbm>>
      %dma_wait3A_81 = tpu.memref_squeeze %dma_wait3A_80 : memref<1x79x128xi32, #tpu.memory_space<hbm>> -> memref<79x128xi32, #tpu.memory_space<hbm>>
      %dma_wait3A_82 = arith.constant 0 : i32
      %dma_wait3A_83 = arith.constant 0 : i32
      %dma_wait3A_84 = tpu.memref_slice %arg4[%arg1, %dma_wait3A_82, %dma_wait3A_83] : memref<16x79x128xi32, #tpu.memory_space<hbm>> -> memref<1x79x128xi32, #tpu.memory_space<hbm>>
      %dma_wait3A_85 = tpu.memref_squeeze %dma_wait3A_84 : memref<1x79x128xi32, #tpu.memory_space<hbm>> -> memref<79x128xi32, #tpu.memory_space<hbm>>
      tpu.wait_dma2 semaphore(%run_scoped3A : memref<!tpu.dma_semaphore, #tpu.memory_space<semaphore_mem>>) src(%dma_wait3A_85 : memref<79x128xi32, #tpu.memory_space<hbm>>) dst(%arg10 : memref<79x128xi32, #tpu.memory_space<vmem>>)
      tpu.yield
    }) : () -> ()
    "tpu.region"() ({
      %run_scoped3A = tpu.sem_alloc : memref<!tpu.dma_semaphore, #tpu.memory_space<semaphore_mem>>
      %dma_start3A_70 = arith.constant 0 : i32
      %dma_start3A_71 = tpu.memref_slice %arg6[%arg0, %dma_start3A_70] : memref<2x128xf32, #tpu.memory_space<hbm>> -> memref<1x128xf32, #tpu.memory_space<hbm>>
      %dma_start3A_72 = tpu.memref_squeeze %dma_start3A_71 : memref<1x128xf32, #tpu.memory_space<hbm>> -> memref<128xf32, #tpu.memory_space<hbm>>
      %dma_start3A_73 = arith.constant 0 : i32
      %dma_start3A_74 = tpu.memref_slice %arg6[%arg0, %dma_start3A_73] : memref<2x128xf32, #tpu.memory_space<hbm>> -> memref<1x128xf32, #tpu.memory_space<hbm>>
      %dma_start3A_75 = tpu.memref_squeeze %dma_start3A_74 : memref<1x128xf32, #tpu.memory_space<hbm>> -> memref<128xf32, #tpu.memory_space<hbm>>
      tpu.enqueue_dma source(%dma_start3A_75 : memref<128xf32, #tpu.memory_space<hbm>>) target(%arg14 : memref<128xf32, #tpu.memory_space<vmem>>) target_semaphore(%run_scoped3A : memref<!tpu.dma_semaphore, #tpu.memory_space<semaphore_mem>>)
      %dma_wait3A_76 = arith.constant 0 : i32
      %dma_wait3A_77 = tpu.memref_slice %arg6[%arg0, %dma_wait3A_76] : memref<2x128xf32, #tpu.memory_space<hbm>> -> memref<1x128xf32, #tpu.memory_space<hbm>>
      %dma_wait3A_78 = tpu.memref_squeeze %dma_wait3A_77 : memref<1x128xf32, #tpu.memory_space<hbm>> -> memref<128xf32, #tpu.memory_space<hbm>>
      %dma_wait3A_79 = arith.constant 0 : i32
      %dma_wait3A_80 = tpu.memref_slice %arg6[%arg0, %dma_wait3A_79] : memref<2x128xf32, #tpu.memory_space<hbm>> -> memref<1x128xf32, #tpu.memory_space<hbm>>
      %dma_wait3A_81 = tpu.memref_squeeze %dma_wait3A_80 : memref<1x128xf32, #tpu.memory_space<hbm>> -> memref<128xf32, #tpu.memory_space<hbm>>
      tpu.wait_dma2 semaphore(%run_scoped3A : memref<!tpu.dma_semaphore, #tpu.memory_space<semaphore_mem>>) src(%dma_wait3A_81 : memref<128xf32, #tpu.memory_space<hbm>>) dst(%arg14 : memref<128xf32, #tpu.memory_space<vmem>>)
      tpu.yield
    }) : () -> ()
    %mul3A_6 = arith.constant 10000 : i32
    %mul3A_7 = arith.muli %arg0, %mul3A_6 : i32
    %scan3A_8 = arith.constant 0 : i32
    %scan3A_9 = arith.constant 0 : i32
    %scan3A_10 = arith.constant 632 : i32
    %scan3A_11 = arith.addi %scan3A_9, %scan3A_10 : i32
    %scan3A_12 = arith.constant 1 : i32
    scf.for %scan3A_70 = %scan3A_9 to %scan3A_11 step %scan3A_12  : i32 {
      %jit3A = arith.constant 8 : i32
      %div3A = arith.divsi %scan3A_70, %jit3A : i32
      %sign3A = arith.constant 0 : i32
      %sign3A_71 = arith.cmpi sgt, %scan3A_70, %sign3A : i32
      %sign3A_72 = arith.extui %sign3A_71 : i1 to i32
      %sign3A_73 = arith.constant 0 : i32
      %sign3A_74 = arith.cmpi slt, %scan3A_70, %sign3A_73 : i32
      %sign3A_75 = arith.extui %sign3A_74 : i1 to i32
      %sign3A_76 = arith.subi %sign3A_72, %sign3A_75 : i32
      %sign3A_77 = arith.constant 0 : i32
      %sign3A_78 = arith.cmpi sgt, %jit3A, %sign3A_77 : i32
      %sign3A_79 = arith.extui %sign3A_78 : i1 to i32
      %sign3A_80 = arith.constant 0 : i32
      %sign3A_81 = arith.cmpi slt, %jit3A, %sign3A_80 : i32
      %sign3A_82 = arith.extui %sign3A_81 : i1 to i32
      %sign3A_83 = arith.subi %sign3A_79, %sign3A_82 : i32
      %ne3A = arith.cmpi ne, %sign3A_76, %sign3A_83 : i32
      %rem3A = arith.remsi %scan3A_70, %jit3A : i32
      %ne3A_84 = arith.constant 0 : i32
      %ne3A_85 = arith.cmpi ne, %rem3A, %ne3A_84 : i32
      %and3A = arith.andi %ne3A, %ne3A_85 : i1
      %sub3A = arith.constant 1 : i32
      %sub3A_86 = arith.subi %div3A, %sub3A : i32
      %select_n3A = arith.select %and3A, %sub3A_86, %div3A : i32
      %mul3A_87 = arith.constant 8 : i32
      %mul3A_88 = arith.muli %select_n3A, %mul3A_87 : i32
      %sub3A_89 = arith.subi %scan3A_70, %mul3A_88 : i32
      %mul3A_90 = arith.constant 16 : i32
      %mul3A_91 = arith.muli %sub3A_89, %mul3A_90 : i32
      %multiple_of3A = tpu.assume_multiple %mul3A_91, 16 : i32
      %get3A_92 = arith.index_cast %select_n3A : i32 to index
      %get3A_93 = arith.index_cast %multiple_of3A : i32 to index
      %get3A_94 = tpu.vector_load %arg9[%get3A_92, %get3A_93] {strides = array<i32>} : memref<79x128xi32, #tpu.memory_space<vmem>>, vector<1x16xi32>,
      %get3A_95 = vector.shape_cast %get3A_94 : vector<1x16xi32> to vector<16xi32>
      %add3A = vector.broadcast %mul3A_7 : i32 to vector<16xi32>
      %add3A_96 = arith.addi %get3A_95, %add3A : vector<16xi32>
      %swap3A = arith.index_cast %select_n3A : i32 to index
      %swap3A_97 = arith.index_cast %multiple_of3A : i32 to index
      %swap3A_98 = tpu.vector_load %arg9[%swap3A, %swap3A_97] {strides = array<i32>} : memref<79x128xi32, #tpu.memory_space<vmem>>, vector<1x16xi32>,
      %swap3A_99 = vector.shape_cast %swap3A_98 : vector<1x16xi32> to vector<16xi32>
      %swap3A_100 = vector.shape_cast %add3A_96 : vector<16xi32> to vector<1x16xi32>
      tpu.vector_store %arg9[%swap3A, %swap3A_97], %swap3A_100 {strides = array<i32>} : memref<79x128xi32, #tpu.memory_space<vmem>>, vector<1x16xi32>,
    }
    %scan3A_13 = arith.constant 632 : i32
    %barrier3A = arith.constant 0 : index
    tpu.barrier barrier_id(%barrier3A)
    %scan3A_14 = arith.constant 0 : i32
    %scan3A_15 = arith.constant 0 : i32
    %scan3A_16 = arith.constant 78 : i32
    %scan3A_17 = arith.addi %scan3A_15, %scan3A_16 : i32
    %scan3A_18 = arith.constant 1 : i32
    scf.for %scan3A_70 = %scan3A_15 to %scan3A_17 step %scan3A_18  : i32 {
      %dma_start3A_71 = arith.constant 0 : i32
      %dma_start3A_72 = tpu.memref_slice %arg9[%scan3A_70, %dma_start3A_71] : memref<79x128xi32, #tpu.memory_space<vmem>> -> memref<1x128xi32, #tpu.memory_space<vmem>>
      %dma_start3A_73 = tpu.memref_squeeze %dma_start3A_72 : memref<1x128xi32, #tpu.memory_space<vmem>> -> memref<128xi32, #tpu.memory_space<vmem>>
      %dma_start3A_74 = arith.constant 0 : i32
      %dma_start3A_75 = arith.constant 0 : i32
      %dma_start3A_76 = tpu.memref_slice %arg2[%dma_start3A_74, %dma_start3A_75] : memref<20000x128xf32, #tpu.memory_space<hbm>> -> memref<20000x128xf32, #tpu.memory_space<hbm>>
      tpu.enqueue_indirect_dma source(%dma_start3A_76 : memref<20000x128xf32, #tpu.memory_space<hbm>>) target(%arg11 : memref<128x128xf32, #tpu.memory_space<vmem>>) offsets(%dma_start3A_73 : memref<128xi32, #tpu.memory_space<vmem>>) semaphore(%arg15 : memref<!tpu.dma_semaphore, #tpu.memory_space<semaphore_mem>>)
      %dma_wait3A_77 = arith.constant 0 : i32
      %dma_wait3A_78 = tpu.memref_slice %arg9[%scan3A_70, %dma_wait3A_77] : memref<79x128xi32, #tpu.memory_space<vmem>> -> memref<1x128xi32, #tpu.memory_space<vmem>>
      %dma_wait3A_79 = tpu.memref_squeeze %dma_wait3A_78 : memref<1x128xi32, #tpu.memory_space<vmem>> -> memref<128xi32, #tpu.memory_space<vmem>>
      %dma_wait3A_80 = arith.constant 0 : i32
      %dma_wait3A_81 = arith.constant 0 : i32
      %dma_wait3A_82 = tpu.memref_slice %arg2[%dma_wait3A_80, %dma_wait3A_81] : memref<20000x128xf32, #tpu.memory_space<hbm>> -> memref<20000x128xf32, #tpu.memory_space<hbm>>
      tpu.wait_indirect_dma semaphore(%arg15 : memref<!tpu.dma_semaphore, #tpu.memory_space<semaphore_mem>>) src(%dma_wait3A_82 : memref<20000x128xf32, #tpu.memory_space<hbm>>) dst(%arg11 : memref<128x128xf32, #tpu.memory_space<vmem>>)
      "tpu.region"() ({
        %run_scoped3A = tpu.sem_alloc : memref<!tpu.dma_semaphore, #tpu.memory_space<semaphore_mem>>
        %dma_start3A_83 = arith.constant 0 : i32
        %dma_start3A_84 = tpu.memref_slice %arg10[%scan3A_70, %dma_start3A_83] : memref<79x128xi32, #tpu.memory_space<vmem>> -> memref<1x128xi32, #tpu.memory_space<vmem>>
        %dma_start3A_85 = tpu.memref_squeeze %dma_start3A_84 : memref<1x128xi32, #tpu.memory_space<vmem>> -> memref<128xi32, #tpu.memory_space<vmem>>
        %dma_start3A_86 = arith.constant 0 : i32
        %dma_start3A_87 = arith.constant 0 : i32
        %dma_start3A_88 = tpu.memref_slice %arg8[%dma_start3A_86, %dma_start3A_87] : memref<10000x128xf32, #tpu.memory_space<vmem_shared>> -> memref<10000x128xf32, #tpu.memory_space<vmem_shared>>
        tpu.enqueue_indirect_dma source(%arg11 : memref<128x128xf32, #tpu.memory_space<vmem>>) target(%dma_start3A_88 : memref<10000x128xf32, #tpu.memory_space<vmem_shared>>) offsets(%dma_start3A_85 : memref<128xi32, #tpu.memory_space<vmem>>) semaphore(%run_scoped3A : memref<!tpu.dma_semaphore, #tpu.memory_space<semaphore_mem>>) {add = true}
        %dma_wait3A_89 = arith.constant 0 : i32
        %dma_wait3A_90 = tpu.memref_slice %arg10[%scan3A_70, %dma_wait3A_89] : memref<79x128xi32, #tpu.memory_space<vmem>> -> memref<1x128xi32, #tpu.memory_space<vmem>>
        %dma_wait3A_91 = tpu.memref_squeeze %dma_wait3A_90 : memref<1x128xi32, #tpu.memory_space<vmem>> -> memref<128xi32, #tpu.memory_space<vmem>>
        %dma_wait3A_92 = arith.constant 0 : i32
        %dma_wait3A_93 = arith.constant 0 : i32
        %dma_wait3A_94 = tpu.memref_slice %arg8[%dma_wait3A_92, %dma_wait3A_93] : memref<10000x128xf32, #tpu.memory_space<vmem_shared>> -> memref<10000x128xf32, #tpu.memory_space<vmem_shared>>
        tpu.wait_indirect_dma semaphore(%run_scoped3A : memref<!tpu.dma_semaphore, #tpu.memory_space<semaphore_mem>>) src(%arg11 : memref<128x128xf32, #tpu.memory_space<vmem>>) dst(%dma_wait3A_94 : memref<10000x128xf32, #tpu.memory_space<vmem_shared>>)
        tpu.yield
      }) : () -> ()
    }
    %scan3A_19 = arith.constant 78 : i32
    %get3A = arith.constant 78 : i32
    %get3A_20 = arith.index_cast %get3A : i32 to index
    %get3A_21 = arith.constant 0 : index
    %get3A_22 = tpu.vector_load %arg9[%get3A_20, %get3A_21] {strides = array<i32>} : memref<79x128xi32, #tpu.memory_space<vmem>>, vector<1x16xi32>,
    %get3A_23 = vector.shape_cast %get3A_22 : vector<1x16xi32> to vector<16xi32>
    %get3A_24 = arith.constant 78 : i32
    %get3A_25 = arith.index_cast %get3A_24 : i32 to index
    %get3A_26 = arith.constant 0 : index
    %get3A_27 = tpu.vector_load %arg10[%get3A_25, %get3A_26] {strides = array<i32>} : memref<79x128xi32, #tpu.memory_space<vmem>>, vector<1x16xi32>,
    %get3A_28 = vector.shape_cast %get3A_27 : vector<1x16xi32> to vector<16xi32>
    %dma_start3A = arith.constant 0 : i32
    %dma_start3A_29 = arith.constant 0 : i32
    %dma_start3A_30 = tpu.memref_slice %arg11[%dma_start3A, %dma_start3A_29] : memref<128x128xf32, #tpu.memory_space<vmem>> -> memref<16x128xf32, #tpu.memory_space<vmem>>
    %dma_start3A_31 = arith.constant 0 : i32
    %dma_start3A_32 = arith.constant 0 : i32
    %dma_start3A_33 = tpu.memref_slice %arg2[%dma_start3A_31, %dma_start3A_32] : memref<20000x128xf32, #tpu.memory_space<hbm>> -> memref<20000x128xf32, #tpu.memory_space<hbm>>
    tpu.enqueue_indirect_dma source(%dma_start3A_33 : memref<20000x128xf32, #tpu.memory_space<hbm>>) target(%dma_start3A_30 : memref<16x128xf32, #tpu.memory_space<vmem>>) offsets(%get3A_23 : vector<16xi32>) semaphore(%arg15 : memref<!tpu.dma_semaphore, #tpu.memory_space<semaphore_mem>>)
    %dma_wait3A = arith.constant 0 : i32
    %dma_wait3A_34 = arith.constant 0 : i32
    %dma_wait3A_35 = tpu.memref_slice %arg11[%dma_wait3A, %dma_wait3A_34] : memref<128x128xf32, #tpu.memory_space<vmem>> -> memref<16x128xf32, #tpu.memory_space<vmem>>
    %dma_wait3A_36 = arith.constant 0 : i32
    %dma_wait3A_37 = arith.constant 0 : i32
    %dma_wait3A_38 = tpu.memref_slice %arg2[%dma_wait3A_36, %dma_wait3A_37] : memref<20000x128xf32, #tpu.memory_space<hbm>> -> memref<20000x128xf32, #tpu.memory_space<hbm>>
    tpu.wait_indirect_dma semaphore(%arg15 : memref<!tpu.dma_semaphore, #tpu.memory_space<semaphore_mem>>) src(%dma_wait3A_38 : memref<20000x128xf32, #tpu.memory_space<hbm>>) dst(%dma_wait3A_35 : memref<16x128xf32, #tpu.memory_space<vmem>>)
    "tpu.region"() ({
      %run_scoped3A = tpu.sem_alloc : memref<!tpu.dma_semaphore, #tpu.memory_space<semaphore_mem>>
      %dma_start3A_70 = arith.constant 0 : i32
      %dma_start3A_71 = arith.constant 0 : i32
      %dma_start3A_72 = tpu.memref_slice %arg11[%dma_start3A_70, %dma_start3A_71] : memref<128x128xf32, #tpu.memory_space<vmem>> -> memref<16x128xf32, #tpu.memory_space<vmem>>
      %dma_start3A_73 = arith.constant 0 : i32
      %dma_start3A_74 = arith.constant 0 : i32
      %dma_start3A_75 = tpu.memref_slice %arg8[%dma_start3A_73, %dma_start3A_74] : memref<10000x128xf32, #tpu.memory_space<vmem_shared>> -> memref<10000x128xf32, #tpu.memory_space<vmem_shared>>
      tpu.enqueue_indirect_dma source(%dma_start3A_72 : memref<16x128xf32, #tpu.memory_space<vmem>>) target(%dma_start3A_75 : memref<10000x128xf32, #tpu.memory_space<vmem_shared>>) offsets(%get3A_28 : vector<16xi32>) semaphore(%run_scoped3A : memref<!tpu.dma_semaphore, #tpu.memory_space<semaphore_mem>>) {add = true}
      %dma_wait3A_76 = arith.constant 0 : i32
      %dma_wait3A_77 = arith.constant 0 : i32
      %dma_wait3A_78 = tpu.memref_slice %arg11[%dma_wait3A_76, %dma_wait3A_77] : memref<128x128xf32, #tpu.memory_space<vmem>> -> memref<16x128xf32, #tpu.memory_space<vmem>>
      %dma_wait3A_79 = arith.constant 0 : i32
      %dma_wait3A_80 = arith.constant 0 : i32
      %dma_wait3A_81 = tpu.memref_slice %arg8[%dma_wait3A_79, %dma_wait3A_80] : memref<10000x128xf32, #tpu.memory_space<vmem_shared>> -> memref<10000x128xf32, #tpu.memory_space<vmem_shared>>
      tpu.wait_indirect_dma semaphore(%run_scoped3A : memref<!tpu.dma_semaphore, #tpu.memory_space<semaphore_mem>>) src(%dma_wait3A_78 : memref<16x128xf32, #tpu.memory_space<vmem>>) dst(%dma_wait3A_81 : memref<10000x128xf32, #tpu.memory_space<vmem_shared>>)
      tpu.yield
    }) : () -> ()
    %barrier3A_39 = arith.constant 0 : index
    tpu.barrier barrier_id(%barrier3A_39)
    %get3A_40 = arith.constant 0 : index
    %get3A_41 = tpu.vector_load %arg14[%get3A_40] {strides = array<i32>} : memref<128xf32, #tpu.memory_space<vmem>>, vector<16xf32>,
    %get3A_42 = vector.shape_cast %get3A_41 : vector<16xf32> to vector<16xf32>
    %get3A_43 = arith.constant 16 : index
    %get3A_44 = tpu.vector_load %arg14[%get3A_43] {strides = array<i32>} : memref<128xf32, #tpu.memory_space<vmem>>, vector<16xf32>,
    %get3A_45 = vector.shape_cast %get3A_44 : vector<16xf32> to vector<16xf32>
    %get3A_46 = arith.constant 32 : index
    %get3A_47 = tpu.vector_load %arg14[%get3A_46] {strides = array<i32>} : memref<128xf32, #tpu.memory_space<vmem>>, vector<16xf32>,
    %get3A_48 = vector.shape_cast %get3A_47 : vector<16xf32> to vector<16xf32>
    %get3A_49 = arith.constant 48 : index
    %get3A_50 = tpu.vector_load %arg14[%get3A_49] {strides = array<i32>} : memref<128xf32, #tpu.memory_space<vmem>>, vector<16xf32>,
    %get3A_51 = vector.shape_cast %get3A_50 : vector<16xf32> to vector<16xf32>
    %get3A_52 = arith.constant 64 : index
    %get3A_53 = tpu.vector_load %arg14[%get3A_52] {strides = array<i32>} : memref<128xf32, #tpu.memory_space<vmem>>, vector<16xf32>,
    %get3A_54 = vector.shape_cast %get3A_53 : vector<16xf32> to vector<16xf32>
    %get3A_55 = arith.constant 80 : index
    %get3A_56 = tpu.vector_load %arg14[%get3A_55] {strides = array<i32>} : memref<128xf32, #tpu.memory_space<vmem>>, vector<16xf32>,
    %get3A_57 = vector.shape_cast %get3A_56 : vector<16xf32> to vector<16xf32>
    %get3A_58 = arith.constant 96 : index
    %get3A_59 = tpu.vector_load %arg14[%get3A_58] {strides = array<i32>} : memref<128xf32, #tpu.memory_space<vmem>>, vector<16xf32>,
    %get3A_60 = vector.shape_cast %get3A_59 : vector<16xf32> to vector<16xf32>
    %get3A_61 = arith.constant 112 : index
    %get3A_62 = tpu.vector_load %arg14[%get3A_61] {strides = array<i32>} : memref<128xf32, #tpu.memory_space<vmem>>, vector<16xf32>,
    %get3A_63 = vector.shape_cast %get3A_62 : vector<16xf32> to vector<16xf32>
    %scan3A_64 = arith.constant 0 : i32
    %scan3A_65 = arith.constant 0 : i32
    %scan3A_66 = arith.constant 16 : i32
    %scan3A_67 = arith.addi %scan3A_65, %scan3A_66 : i32
    %scan3A_68 = arith.constant 1 : i32
    scf.for %scan3A_70 = %scan3A_65 to %scan3A_67 step %scan3A_68  : i32 {
      %mul3A_71 = arith.constant 40 : i32
      %mul3A_72 = arith.muli %scan3A_70, %mul3A_71 : i32
      %add3A = arith.addi %mul3A_0, %mul3A_72 : i32
      "tpu.region"() ({
        %run_scoped3A = tpu.sem_alloc : memref<!tpu.dma_semaphore, #tpu.memory_space<semaphore_mem>>
        %dma_start3A_79 = arith.constant 0 : i32
        %dma_start3A_80 = tpu.memref_slice %arg8[%add3A, %dma_start3A_79] : memref<10000x128xf32, #tpu.memory_space<vmem_shared>> -> memref<40x128xf32, #tpu.memory_space<vmem_shared>>
        %dma_start3A_81 = arith.constant 0 : i32
        %dma_start3A_82 = tpu.memref_slice %arg8[%add3A, %dma_start3A_81] : memref<10000x128xf32, #tpu.memory_space<vmem_shared>> -> memref<40x128xf32, #tpu.memory_space<vmem_shared>>
        tpu.enqueue_dma source(%dma_start3A_82 : memref<40x128xf32, #tpu.memory_space<vmem_shared>>) target(%arg12 : memref<40x128xf32, #tpu.memory_space<vmem>>) target_semaphore(%run_scoped3A : memref<!tpu.dma_semaphore, #tpu.memory_space<semaphore_mem>>)
        %dma_wait3A_83 = arith.constant 0 : i32
        %dma_wait3A_84 = tpu.memref_slice %arg8[%add3A, %dma_wait3A_83] : memref<10000x128xf32, #tpu.memory_space<vmem_shared>> -> memref<40x128xf32, #tpu.memory_space<vmem_shared>>
        %dma_wait3A_85 = arith.constant 0 : i32
        %dma_wait3A_86 = tpu.memref_slice %arg8[%add3A, %dma_wait3A_85] : memref<10000x128xf32, #tpu.memory_space<vmem_shared>> -> memref<40x128xf32, #tpu.memory_space<vmem_shared>>
        tpu.wait_dma2 semaphore(%run_scoped3A : memref<!tpu.dma_semaphore, #tpu.memory_space<semaphore_mem>>) src(%dma_wait3A_86 : memref<40x128xf32, #tpu.memory_space<vmem_shared>>) dst(%arg12 : memref<40x128xf32, #tpu.memory_space<vmem>>)
        tpu.yield
      }) : () -> ()
      "tpu.region"() ({
        %run_scoped3A = tpu.sem_alloc : memref<!tpu.dma_semaphore, #tpu.memory_space<semaphore_mem>>
        %dma_start3A_79 = arith.constant 0 : i32
        %dma_start3A_80 = tpu.memref_slice %arg5[%add3A, %dma_start3A_79] : memref<10000x16xf32, #tpu.memory_space<hbm>> -> memref<40x16xf32, #tpu.memory_space<hbm>>
        %dma_start3A_81 = arith.constant 0 : i32
        %dma_start3A_82 = tpu.memref_slice %arg5[%add3A, %dma_start3A_81] : memref<10000x16xf32, #tpu.memory_space<hbm>> -> memref<40x16xf32, #tpu.memory_space<hbm>>
        tpu.enqueue_dma source(%dma_start3A_82 : memref<40x16xf32, #tpu.memory_space<hbm>>) target(%arg13 : memref<40x16xf32, #tpu.memory_space<vmem>>) target_semaphore(%run_scoped3A : memref<!tpu.dma_semaphore, #tpu.memory_space<semaphore_mem>>)
        %dma_wait3A_83 = arith.constant 0 : i32
        %dma_wait3A_84 = tpu.memref_slice %arg5[%add3A, %dma_wait3A_83] : memref<10000x16xf32, #tpu.memory_space<hbm>> -> memref<40x16xf32, #tpu.memory_space<hbm>>
        %dma_wait3A_85 = arith.constant 0 : i32
        %dma_wait3A_86 = tpu.memref_slice %arg5[%add3A, %dma_wait3A_85] : memref<10000x16xf32, #tpu.memory_space<hbm>> -> memref<40x16xf32, #tpu.memory_space<hbm>>
        tpu.wait_dma2 semaphore(%run_scoped3A : memref<!tpu.dma_semaphore, #tpu.memory_space<semaphore_mem>>) src(%dma_wait3A_86 : memref<40x16xf32, #tpu.memory_space<hbm>>) dst(%arg13 : memref<40x16xf32, #tpu.memory_space<vmem>>)
        tpu.yield
      }) : () -> ()
      %scan3A_73 = arith.constant 0 : i32
      %scan3A_74 = arith.constant 0 : i32
      %scan3A_75 = arith.constant 40 : i32
      %scan3A_76 = arith.addi %scan3A_74, %scan3A_75 : i32
      %scan3A_77 = arith.constant 1 : i32
      scf.for %scan3A_79 = %scan3A_74 to %scan3A_76 step %scan3A_77  : i32 {
        %get3A_80 = arith.index_cast %scan3A_79 : i32 to index
        %get3A_81 = arith.constant 0 : index
        %get3A_82 = tpu.vector_load %arg13[%get3A_80, %get3A_81] {strides = array<i32>} : memref<40x16xf32, #tpu.memory_space<vmem>>, vector<1x16xf32>,
        %get3A_83 = vector.shape_cast %get3A_82 : vector<1x16xf32> to vector<16xf32>
        %get3A_84 = arith.index_cast %scan3A_79 : i32 to index
        %get3A_85 = arith.constant 0 : index
        %get3A_86 = tpu.vector_load %arg12[%get3A_84, %get3A_85] {strides = array<i32>} : memref<40x128xf32, #tpu.memory_space<vmem>>, vector<1x16xf32>,
        %get3A_87 = vector.shape_cast %get3A_86 : vector<1x16xf32> to vector<16xf32>
        %mul3A_88 = arith.mulf %get3A_87, %get3A_83 : vector<16xf32>
        %add3A_89 = arith.addf %mul3A_88, %get3A_42 : vector<16xf32>
        %max3A = arith.constant 0.000000e+00 : f32
        %max3A_90 = vector.broadcast %max3A : f32 to vector<16xf32>
        %max3A_91 = arith.maximumf %add3A_89, %max3A_90 : vector<16xf32>
        %swap3A = arith.index_cast %scan3A_79 : i32 to index
        %swap3A_92 = arith.constant 0 : index
        %swap3A_93 = tpu.vector_load %arg12[%swap3A, %swap3A_92] {strides = array<i32>} : memref<40x128xf32, #tpu.memory_space<vmem>>, vector<1x16xf32>,
        %swap3A_94 = vector.shape_cast %swap3A_93 : vector<1x16xf32> to vector<16xf32>
        %swap3A_95 = vector.shape_cast %max3A_91 : vector<16xf32> to vector<1x16xf32>
        tpu.vector_store %arg12[%swap3A, %swap3A_92], %swap3A_95 {strides = array<i32>} : memref<40x128xf32, #tpu.memory_space<vmem>>, vector<1x16xf32>,
        %get3A_96 = arith.index_cast %scan3A_79 : i32 to index
        %get3A_97 = arith.constant 16 : index
        %get3A_98 = tpu.vector_load %arg12[%get3A_96, %get3A_97] {strides = array<i32>} : memref<40x128xf32, #tpu.memory_space<vmem>>, vector<1x16xf32>,
        %get3A_99 = vector.shape_cast %get3A_98 : vector<1x16xf32> to vector<16xf32>
        %mul3A_100 = arith.mulf %get3A_99, %get3A_83 : vector<16xf32>
        %add3A_101 = arith.addf %mul3A_100, %get3A_45 : vector<16xf32>
        %max3A_102 = arith.constant 0.000000e+00 : f32
        %max3A_103 = vector.broadcast %max3A_102 : f32 to vector<16xf32>
        %max3A_104 = arith.maximumf %add3A_101, %max3A_103 : vector<16xf32>
        %swap3A_105 = arith.index_cast %scan3A_79 : i32 to index
        %swap3A_106 = arith.constant 16 : index
        %swap3A_107 = tpu.vector_load %arg12[%swap3A_105, %swap3A_106] {strides = array<i32>} : memref<40x128xf32, #tpu.memory_space<vmem>>, vector<1x16xf32>,
        %swap3A_108 = vector.shape_cast %swap3A_107 : vector<1x16xf32> to vector<16xf32>
        %swap3A_109 = vector.shape_cast %max3A_104 : vector<16xf32> to vector<1x16xf32>
        tpu.vector_store %arg12[%swap3A_105, %swap3A_106], %swap3A_109 {strides = array<i32>} : memref<40x128xf32, #tpu.memory_space<vmem>>, vector<1x16xf32>,
        %get3A_110 = arith.index_cast %scan3A_79 : i32 to index
        %get3A_111 = arith.constant 32 : index
        %get3A_112 = tpu.vector_load %arg12[%get3A_110, %get3A_111] {strides = array<i32>} : memref<40x128xf32, #tpu.memory_space<vmem>>, vector<1x16xf32>,
        %get3A_113 = vector.shape_cast %get3A_112 : vector<1x16xf32> to vector<16xf32>
        %mul3A_114 = arith.mulf %get3A_113, %get3A_83 : vector<16xf32>
        %add3A_115 = arith.addf %mul3A_114, %get3A_48 : vector<16xf32>
        %max3A_116 = arith.constant 0.000000e+00 : f32
        %max3A_117 = vector.broadcast %max3A_116 : f32 to vector<16xf32>
        %max3A_118 = arith.maximumf %add3A_115, %max3A_117 : vector<16xf32>
        %swap3A_119 = arith.index_cast %scan3A_79 : i32 to index
        %swap3A_120 = arith.constant 32 : index
        %swap3A_121 = tpu.vector_load %arg12[%swap3A_119, %swap3A_120] {strides = array<i32>} : memref<40x128xf32, #tpu.memory_space<vmem>>, vector<1x16xf32>,
        %swap3A_122 = vector.shape_cast %swap3A_121 : vector<1x16xf32> to vector<16xf32>
        %swap3A_123 = vector.shape_cast %max3A_118 : vector<16xf32> to vector<1x16xf32>
        tpu.vector_store %arg12[%swap3A_119, %swap3A_120], %swap3A_123 {strides = array<i32>} : memref<40x128xf32, #tpu.memory_space<vmem>>, vector<1x16xf32>,
        %get3A_124 = arith.index_cast %scan3A_79 : i32 to index
        %get3A_125 = arith.constant 48 : index
        %get3A_126 = tpu.vector_load %arg12[%get3A_124, %get3A_125] {strides = array<i32>} : memref<40x128xf32, #tpu.memory_space<vmem>>, vector<1x16xf32>,
        %get3A_127 = vector.shape_cast %get3A_126 : vector<1x16xf32> to vector<16xf32>
        %mul3A_128 = arith.mulf %get3A_127, %get3A_83 : vector<16xf32>
        %add3A_129 = arith.addf %mul3A_128, %get3A_51 : vector<16xf32>
        %max3A_130 = arith.constant 0.000000e+00 : f32
        %max3A_131 = vector.broadcast %max3A_130 : f32 to vector<16xf32>
        %max3A_132 = arith.maximumf %add3A_129, %max3A_131 : vector<16xf32>
        %swap3A_133 = arith.index_cast %scan3A_79 : i32 to index
        %swap3A_134 = arith.constant 48 : index
        %swap3A_135 = tpu.vector_load %arg12[%swap3A_133, %swap3A_134] {strides = array<i32>} : memref<40x128xf32, #tpu.memory_space<vmem>>, vector<1x16xf32>,
        %swap3A_136 = vector.shape_cast %swap3A_135 : vector<1x16xf32> to vector<16xf32>
        %swap3A_137 = vector.shape_cast %max3A_132 : vector<16xf32> to vector<1x16xf32>
        tpu.vector_store %arg12[%swap3A_133, %swap3A_134], %swap3A_137 {strides = array<i32>} : memref<40x128xf32, #tpu.memory_space<vmem>>, vector<1x16xf32>,
        %get3A_138 = arith.index_cast %scan3A_79 : i32 to index
        %get3A_139 = arith.constant 64 : index
        %get3A_140 = tpu.vector_load %arg12[%get3A_138, %get3A_139] {strides = array<i32>} : memref<40x128xf32, #tpu.memory_space<vmem>>, vector<1x16xf32>,
        %get3A_141 = vector.shape_cast %get3A_140 : vector<1x16xf32> to vector<16xf32>
        %mul3A_142 = arith.mulf %get3A_141, %get3A_83 : vector<16xf32>
        %add3A_143 = arith.addf %mul3A_142, %get3A_54 : vector<16xf32>
        %max3A_144 = arith.constant 0.000000e+00 : f32
        %max3A_145 = vector.broadcast %max3A_144 : f32 to vector<16xf32>
        %max3A_146 = arith.maximumf %add3A_143, %max3A_145 : vector<16xf32>
        %swap3A_147 = arith.index_cast %scan3A_79 : i32 to index
        %swap3A_148 = arith.constant 64 : index
        %swap3A_149 = tpu.vector_load %arg12[%swap3A_147, %swap3A_148] {strides = array<i32>} : memref<40x128xf32, #tpu.memory_space<vmem>>, vector<1x16xf32>,
        %swap3A_150 = vector.shape_cast %swap3A_149 : vector<1x16xf32> to vector<16xf32>
        %swap3A_151 = vector.shape_cast %max3A_146 : vector<16xf32> to vector<1x16xf32>
        tpu.vector_store %arg12[%swap3A_147, %swap3A_148], %swap3A_151 {strides = array<i32>} : memref<40x128xf32, #tpu.memory_space<vmem>>, vector<1x16xf32>,
        %get3A_152 = arith.index_cast %scan3A_79 : i32 to index
        %get3A_153 = arith.constant 80 : index
        %get3A_154 = tpu.vector_load %arg12[%get3A_152, %get3A_153] {strides = array<i32>} : memref<40x128xf32, #tpu.memory_space<vmem>>, vector<1x16xf32>,
        %get3A_155 = vector.shape_cast %get3A_154 : vector<1x16xf32> to vector<16xf32>
        %mul3A_156 = arith.mulf %get3A_155, %get3A_83 : vector<16xf32>
        %add3A_157 = arith.addf %mul3A_156, %get3A_57 : vector<16xf32>
        %max3A_158 = arith.constant 0.000000e+00 : f32
        %max3A_159 = vector.broadcast %max3A_158 : f32 to vector<16xf32>
        %max3A_160 = arith.maximumf %add3A_157, %max3A_159 : vector<16xf32>
        %swap3A_161 = arith.index_cast %scan3A_79 : i32 to index
        %swap3A_162 = arith.constant 80 : index
        %swap3A_163 = tpu.vector_load %arg12[%swap3A_161, %swap3A_162] {strides = array<i32>} : memref<40x128xf32, #tpu.memory_space<vmem>>, vector<1x16xf32>,
        %swap3A_164 = vector.shape_cast %swap3A_163 : vector<1x16xf32> to vector<16xf32>
        %swap3A_165 = vector.shape_cast %max3A_160 : vector<16xf32> to vector<1x16xf32>
        tpu.vector_store %arg12[%swap3A_161, %swap3A_162], %swap3A_165 {strides = array<i32>} : memref<40x128xf32, #tpu.memory_space<vmem>>, vector<1x16xf32>,
        %get3A_166 = arith.index_cast %scan3A_79 : i32 to index
        %get3A_167 = arith.constant 96 : index
        %get3A_168 = tpu.vector_load %arg12[%get3A_166, %get3A_167] {strides = array<i32>} : memref<40x128xf32, #tpu.memory_space<vmem>>, vector<1x16xf32>,
        %get3A_169 = vector.shape_cast %get3A_168 : vector<1x16xf32> to vector<16xf32>
        %mul3A_170 = arith.mulf %get3A_169, %get3A_83 : vector<16xf32>
        %add3A_171 = arith.addf %mul3A_170, %get3A_60 : vector<16xf32>
        %max3A_172 = arith.constant 0.000000e+00 : f32
        %max3A_173 = vector.broadcast %max3A_172 : f32 to vector<16xf32>
        %max3A_174 = arith.maximumf %add3A_171, %max3A_173 : vector<16xf32>
        %swap3A_175 = arith.index_cast %scan3A_79 : i32 to index
        %swap3A_176 = arith.constant 96 : index
        %swap3A_177 = tpu.vector_load %arg12[%swap3A_175, %swap3A_176] {strides = array<i32>} : memref<40x128xf32, #tpu.memory_space<vmem>>, vector<1x16xf32>,
        %swap3A_178 = vector.shape_cast %swap3A_177 : vector<1x16xf32> to vector<16xf32>
        %swap3A_179 = vector.shape_cast %max3A_174 : vector<16xf32> to vector<1x16xf32>
        tpu.vector_store %arg12[%swap3A_175, %swap3A_176], %swap3A_179 {strides = array<i32>} : memref<40x128xf32, #tpu.memory_space<vmem>>, vector<1x16xf32>,
        %get3A_180 = arith.index_cast %scan3A_79 : i32 to index
        %get3A_181 = arith.constant 112 : index
        %get3A_182 = tpu.vector_load %arg12[%get3A_180, %get3A_181] {strides = array<i32>} : memref<40x128xf32, #tpu.memory_space<vmem>>, vector<1x16xf32>,
        %get3A_183 = vector.shape_cast %get3A_182 : vector<1x16xf32> to vector<16xf32>
        %mul3A_184 = arith.mulf %get3A_183, %get3A_83 : vector<16xf32>
        %add3A_185 = arith.addf %mul3A_184, %get3A_63 : vector<16xf32>
        %max3A_186 = arith.constant 0.000000e+00 : f32
        %max3A_187 = vector.broadcast %max3A_186 : f32 to vector<16xf32>
        %max3A_188 = arith.maximumf %add3A_185, %max3A_187 : vector<16xf32>
        %swap3A_189 = arith.index_cast %scan3A_79 : i32 to index
        %swap3A_190 = arith.constant 112 : index
        %swap3A_191 = tpu.vector_load %arg12[%swap3A_189, %swap3A_190] {strides = array<i32>} : memref<40x128xf32, #tpu.memory_space<vmem>>, vector<1x16xf32>,
        %swap3A_192 = vector.shape_cast %swap3A_191 : vector<1x16xf32> to vector<16xf32>
        %swap3A_193 = vector.shape_cast %max3A_188 : vector<16xf32> to vector<1x16xf32>
        tpu.vector_store %arg12[%swap3A_189, %swap3A_190], %swap3A_193 {strides = array<i32>} : memref<40x128xf32, #tpu.memory_space<vmem>>, vector<1x16xf32>,
      }
      %scan3A_78 = arith.constant 40 : i32
      "tpu.region"() ({
        %run_scoped3A = tpu.sem_alloc : memref<!tpu.dma_semaphore, #tpu.memory_space<semaphore_mem>>
        %dma_start3A_79 = arith.constant 0 : i32
        %dma_start3A_80 = tpu.memref_slice %arg7[%arg0, %add3A, %dma_start3A_79] : memref<2x10000x128xf32, #tpu.memory_space<hbm>> -> memref<1x40x128xf32, #tpu.memory_space<hbm>>
        %dma_start3A_81 = tpu.memref_squeeze %dma_start3A_80 : memref<1x40x128xf32, #tpu.memory_space<hbm>> -> memref<40x128xf32, #tpu.memory_space<hbm>>
        %dma_start3A_82 = arith.constant 0 : i32
        %dma_start3A_83 = tpu.memref_slice %arg7[%arg0, %add3A, %dma_start3A_82] : memref<2x10000x128xf32, #tpu.memory_space<hbm>> -> memref<1x40x128xf32, #tpu.memory_space<hbm>>
        %dma_start3A_84 = tpu.memref_squeeze %dma_start3A_83 : memref<1x40x128xf32, #tpu.memory_space<hbm>> -> memref<40x128xf32, #tpu.memory_space<hbm>>
        tpu.enqueue_dma source(%arg12 : memref<40x128xf32, #tpu.memory_space<vmem>>) target(%dma_start3A_84 : memref<40x128xf32, #tpu.memory_space<hbm>>) target_semaphore(%run_scoped3A : memref<!tpu.dma_semaphore, #tpu.memory_space<semaphore_mem>>)
        %dma_wait3A_85 = arith.constant 0 : i32
        %dma_wait3A_86 = tpu.memref_slice %arg7[%arg0, %add3A, %dma_wait3A_85] : memref<2x10000x128xf32, #tpu.memory_space<hbm>> -> memref<1x40x128xf32, #tpu.memory_space<hbm>>
        %dma_wait3A_87 = tpu.memref_squeeze %dma_wait3A_86 : memref<1x40x128xf32, #tpu.memory_space<hbm>> -> memref<40x128xf32, #tpu.memory_space<hbm>>
        %dma_wait3A_88 = arith.constant 0 : i32
        %dma_wait3A_89 = tpu.memref_slice %arg7[%arg0, %add3A, %dma_wait3A_88] : memref<2x10000x128xf32, #tpu.memory_space<hbm>> -> memref<1x40x128xf32, #tpu.memory_space<hbm>>
        %dma_wait3A_90 = tpu.memref_squeeze %dma_wait3A_89 : memref<1x40x128xf32, #tpu.memory_space<hbm>> -> memref<40x128xf32, #tpu.memory_space<hbm>>
        tpu.wait_dma2 semaphore(%run_scoped3A : memref<!tpu.dma_semaphore, #tpu.memory_space<semaphore_mem>>) src(%arg12 : memref<40x128xf32, #tpu.memory_space<vmem>>) dst(%dma_wait3A_90 : memref<40x128xf32, #tpu.memory_space<hbm>>)
        tpu.yield
      }) : () -> ()
    }
    %scan3A_69 = arith.constant 16 : i32
    return
  }
}

module attributes {stable_mosaic.version = 14 : i64} {
  func.func @tc_body(%arg0: i32, %arg1: i32, %arg2: memref<1000x256xf32, #tpu.memory_space<vmem>>, %arg3: memref<256x128xf32, #tpu.memory_space<vmem>>, %arg4: memref<1000x16xf32, #tpu.memory_space<vmem>>, %arg5: memref<1000x128xf32, #tpu.memory_space<vmem>>, %arg6: memref<1000x16xf32, #tpu.memory_space<vmem>>) attributes {dimension_semantics = [#tpu.dimension_semantics<arbitrary>, #tpu.dimension_semantics<arbitrary>], iteration_bounds = array<i64: 2, 10>, scalar_prefetch = 0 : i64, scratch_operands = 0 : i64, tpu.core_type = #tpu.core_type<tc>, window_params = [{transform_indices = @transform_0, window_bounds = array<i64: 1000, 256>}, {transform_indices = @transform_1, window_bounds = array<i64: 256, 128>}, {transform_indices = @transform_2, window_bounds = array<i64: 1000, 16>}, {transform_indices = @transform_3, window_bounds = array<i64: 1000, 128>}, {transform_indices = @transform_4, window_bounds = array<i64: 1000, 16>}]} {
    %get3A = arith.constant 0 : index
    %get3A_0 = arith.constant 0 : index
    %get3A_1 = vector.load %arg4[%get3A, %get3A_0] : memref<1000x16xf32, #tpu.memory_space<vmem>>, vector<1000x1xf32>
    %get3A_2 = vector.shape_cast %get3A_1 : vector<1000x1xf32> to vector<1000xf32>
    %add3A = arith.constant 1.000000e+00 : f32
    %add3A_3 = vector.broadcast %add3A : f32 to vector<1000xf32>
    %add3A_4 = arith.addf %get3A_2, %add3A_3 : vector<1000xf32>
    %rsqrt3A = math.rsqrt %add3A_4 : vector<1000xf32>
    %get3A_5 = arith.constant 0 : index
    %get3A_6 = arith.constant 0 : index
    %get3A_7 = vector.load %arg2[%get3A_5, %get3A_6] : memref<1000x256xf32, #tpu.memory_space<vmem>>, vector<1000x256xf32>
    %get3A_8 = arith.constant 0 : index
    %get3A_9 = arith.constant 0 : index
    %get3A_10 = vector.load %arg3[%get3A_8, %get3A_9] : memref<256x128xf32, #tpu.memory_space<vmem>>, vector<256x128xf32>
    %dot_general3A = arith.constant dense<0.000000e+00> : vector<1000x128xf32>
    %dot_general3A_11 = tpu.matmul %get3A_7, %get3A_10, %dot_general3A {dimension_numbers = #tpu.dot_dimension_numbers<[1], [0], [0], [1], [0, 0, 1, 1], [], []>, transpose_lhs_hint = false} : vector<1000x256xf32>, vector<256x128xf32>, vector<1000x128xf32> -> vector<1000x128xf32>
    %broadcast_in_dim3A = vector.shape_cast %rsqrt3A : vector<1000xf32> to vector<1000x1xf32>
    %mul3A = vector.broadcast %broadcast_in_dim3A : vector<1000x1xf32> to vector<1000x128xf32>
    %mul3A_12 = arith.mulf %dot_general3A_11, %mul3A : vector<1000x128xf32>
    %swap3A = arith.constant 0 : index
    %swap3A_13 = arith.constant 0 : index
    %swap3A_14 = vector.load %arg5[%swap3A, %swap3A_13] : memref<1000x128xf32, #tpu.memory_space<vmem>>, vector<1000x128xf32>
    tpu.vector_store %arg5[%swap3A, %swap3A_13], %mul3A_12 {strides = array<i32>} : memref<1000x128xf32, #tpu.memory_space<vmem>>, vector<1000x128xf32>,
    %broadcast_in_dim3A_15 = vector.shape_cast %rsqrt3A : vector<1000xf32> to vector<1000x1xf32>
    %broadcast_in_dim3A_16 = vector.shape_cast %broadcast_in_dim3A_15 : vector<1000x1xf32> to vector<1000x1xf32>
    %broadcast_in_dim3A_17 = vector.broadcast %broadcast_in_dim3A_16 : vector<1000x1xf32> to vector<1000x16xf32>
    %swap3A_18 = arith.constant 0 : index
    %swap3A_19 = arith.constant 0 : index
    %swap3A_20 = vector.load %arg6[%swap3A_18, %swap3A_19] : memref<1000x16xf32, #tpu.memory_space<vmem>>, vector<1000x16xf32>
    tpu.vector_store %arg6[%swap3A_18, %swap3A_19], %broadcast_in_dim3A_17 {strides = array<i32>} : memref<1000x16xf32, #tpu.memory_space<vmem>>, vector<1000x16xf32>,
    return
  }
  func.func @transform_0(%arg0: i32, %arg1: i32) -> (i32, i32) {
    %c0_i32 = arith.constant 0 : i32
    %c0_i32_0 = arith.constant 0 : i32
    return %arg1, %c0_i32 : i32, i32
  }
  func.func @transform_1(%arg0: i32, %arg1: i32) -> (i32, i32) {
    %c0_i32 = arith.constant 0 : i32
    %c0_i32_0 = arith.constant 0 : i32
    return %c0_i32, %arg0 : i32, i32
  }
  func.func @transform_2(%arg0: i32, %arg1: i32) -> (i32, i32) {
    %c0_i32 = arith.constant 0 : i32
    %c0_i32_0 = arith.constant 0 : i32
    return %arg1, %c0_i32 : i32, i32
  }
  func.func @transform_3(%arg0: i32, %arg1: i32) -> (i32, i32) {
    %mul3A = arith.constant 10 : i32
    %mul3A_0 = arith.muli %arg0, %mul3A : i32
    %add3A = arith.addi %mul3A_0, %arg1 : i32
    %c0_i32 = arith.constant 0 : i32
    %c0_i32_1 = arith.constant 0 : i32
    return %add3A, %c0_i32 : i32, i32
  }
  func.func @transform_4(%arg0: i32, %arg1: i32) -> (i32, i32) {
    %c0_i32 = arith.constant 0 : i32
    %c0_i32_0 = arith.constant 0 : i32
    return %arg1, %c0_i32 : i32, i32
  }
}

</mosaic_0001>

<sc_bundles>
// kernel: kernel.5.cloned.1.call-start
scs
__scs_entry_jumppad:
0x0: {  	(pc) =	sbr.rel $0x88, $3  }
0x1: {  	(tag) =	ssettag $0x0;
	lr =	simm.s32 $0x1  }
0x2: {  	[smem:$0x3F9D] =	sst lr;
	_ =	strace $0xD0000000  }
0x3: {  	_ = 	snop  }
0x4: {  	_ = 	snop  }
0x5: {  	_ = 	snop  }
0x6: {  	_ = 	snop  }
0x7: {  	_ = 	snop  }
__scs_overlays_trampoline_lowered:
0x8: {  	[smem:$0x3FAC] =	sst s0  }
0x9: {  	[smem:$0x3FAD] =	sst s1  }
0xa: {  	[smem:$0x3FAE] =	sst s2  }
0xb: {  	[smem:$0x3FAF] =	sst s3  }
0xc: {  	[smem:$0x3FB0] =	sst s4  }
0xd: {  	[smem:$0x3FB1] =	sst s5  }
0xe: {  	[smem:$0x3FB2] =	sst s6  }
0xf: {  	[smem:$0x3FB3] =	sst s7  }
0x10: {  	[smem:$0x3FB4] =	sst s8  }
0x11: {  	[smem:$0x3FB5] =	sst s9;
	s0 =	simm.s32 @!p0 $0x0  }
0x12: {  	s1 =	sld [smem:$0x3F9B];
	s0 =	simm.s32 @p0 $0x1  }
0x13: {  	[smem:$0x3FB6] =	sst s0;
	s0 =	simm.s32 @!p1 $0x0  }
0x14: {  	s2 =	sld [smem:$0x3F9A];
	s0 =	simm.s32 @p1 $0x1  }
0x15: {  	[smem:$0x3FB7] =	sst s0;
	s0 =	simm.s32 @!p2 $0x0  }
0x16: {  	s3 =	sld [smem:$0x3FDB];
	s0 =	simm.s32 @p2 $0x1  }
0x17: {  	s4 =	simm.s32 $0x1BF5;
	[smem:$0x3FB9] =	sst s0  }
0x18: {  	s0 =	sld [smem:$0x3F9C];
	_ =	swait.ge [sflag:s4], $0x0  }
0x19: {  	s7 =	sld [smem:$0x3F9D]  }
0x1a: {  	s8 =	sadd.s32 $0xFFFFE003, lr  }
0x1b: {  	s9 =	sadd.s32 $0xFFFFFEF7, lr;
	s5 =	simm.s32 $0xFFFFFFFF;
	p2 =	slt.u32 s8, $0xFFFFF086  }
0x1c: {  	p1 =	slt.u32 s9, $0xF7A;
	s5 =	simm.s32 @!p2 $0x0  }
0x1d: {  	s5 =	simm.s32 @p1 $0x1;
	p0 =	seq.s32 s7, s2  }
0x1e: {  	s7 =	smul.u32 @!p0 $0xF7A, s2;
	p2 =	seq.s32 @!p0 s5, $0x0  }
0x1f: {  	s9 =	smul.u32 $0xF7A, s1;
	s8 =	simm.s32 @!p0 $0x1BF5;
	p2 =	por !p2, p0  }
0x20: {  	[sflag:s8] =	ssyncset.s32 @!p0 $0xFFFFF086;
	s6 =	sadd.s32 @!p0 s3, s7;
	s7 =	simm.s32 @!p0 $0x108  }
0x21: {  	s3 =	sadd.s32 s3, s9;
	s6 =	sadd.s32 @!p0 $0x88, s6;
	s7 =	simm.s32 @p2 $0x1082  }
0x22: {  	[simem:s7], [sflag:s8] =	dma.local @!p0 [hbm:s6], $0xF7A  }
0x23: {  	s9 =	sor.u32 $0xD0000000, s2;
	s6 =	simm.s32 $0x108;
	_ =	swait.ge @!p0 [sflag:s8], $0x0  }
0x24: {  	s3 =	sadd.s32 $0x88, s3;
	s6 =	simm.s32 @!p1 $0x1082;
	[sflag:s4] =	ssyncset.s32 $0xFFFFF086  }
0x25: {  	[simem:s6], [sflag:s4] =	dma.local [hbm:s3], $0xF7A  }
0x26: {  	[smem:$0x3F9D] =	sst s1;
	(tag) =	ssettag s2;
	_ =	strace s9  }
0x27: {  	s1 =	sld [smem:$0x3FAD]  }
0x28: {  	s2 =	sld [smem:$0x3FAE]  }
0x29: {  	s4 =	sld [smem:$0x3FB0]  }
0x2a: {  	p0 =	seq.s32 s5, $0x0;
	s5 =	sld [smem:$0x3FB1]  }
0x2b: {  	s6 =	sld [smem:$0x3FB2]  }
0x2c: {  	s7 =	sld [smem:$0x3FB3]  }
0x2d: {  	s3 =	simm.s32 $0x108;
	s8 =	sld [smem:$0x3FB4]  }
0x2e: {  	s3 =	simm.s32 @!p0 $0x1082;
	s9 =	sld [smem:$0x3FB5]  }
0x2f: {  	lr =	sadd.s32 s0, s3;
	s0 =	sld [smem:$0x3FAC]  }
0x30: {  	s3 =	sld [smem:$0x3FAF]  }
0x31: {  	[smem:$0x3FB8] =	sst s10  }
0x32: {  	s10 =	sld [smem:$0x3FB6];
	_ =	sdelay $0x3  }
0x33: {  	p0 =	seq.s32 s10, $0x1;
	s10 =	sld [smem:$0x3FB8];
	_ =	sdelay $0x3  }
0x34: {  	[smem:$0x3FB8] =	sst s10  }
0x35: {  	s10 =	sld [smem:$0x3FB7];
	_ =	sdelay $0x3  }
0x36: {  	p1 =	seq.s32 s10, $0x1;
	s10 =	sld [smem:$0x3FB8];
	_ =	sdelay $0x3  }
0x37: {  	[smem:$0x3FB8] =	sst s10  }
0x38: {  	s10 =	sld [smem:$0x3FB9]  }
0x39: {  	_ = 	snop;
	(pc) =	sbr.ind lr, $3  }
0x3a: {  	_ = 	snop  }
0x3b: {  	_ = 	snop  }
0x3c: {  	p2 =	seq.s32 s10, $0x1;
	s10 =	sld [smem:$0x3FB8]  }
0x3d: {  	_ =	shalt  }
0x3e: {  	_ =	shalt  }
0x3f: {  	_ =	shalt  }
0x40: {  	_ =	shalt  }
0x41: {  	_ =	shalt  }
0x42: {  	_ =	shalt  }
0x43: {  	_ =	shalt  }
0x44: {  	_ =	shalt  }
0x45: {  	_ =	shalt  }
0x46: {  	_ =	shalt  }
0x47: {  	_ =	shalt  }
0x48: {  	_ =	shalt  }
0x49: {  	_ =	shalt  }
0x4a: {  	_ =	shalt  }
0x4b: {  	_ =	shalt  }
0x4c: {  	_ =	shalt  }
0x4d: {  	_ =	shalt  }
0x4e: {  	_ =	shalt  }
0x4f: {  	_ =	shalt  }
0x50: {  	_ =	shalt  }
0x51: {  	_ =	shalt  }
0x52: {  	_ =	shalt  }
0x53: {  	_ =	shalt  }
0x54: {  	_ =	shalt  }
0x55: {  	_ =	shalt  }
0x56: {  	_ =	shalt  }
0x57: {  	_ =	shalt  }
0x58: {  	_ =	shalt  }
0x59: {  	_ =	shalt  }
0x5a: {  	_ =	shalt  }
0x5b: {  	_ =	shalt  }
0x5c: {  	_ =	shalt  }
0x5d: {  	_ =	shalt  }
0x5e: {  	_ =	shalt  }
0x5f: {  	_ =	shalt  }
0x60: {  	_ =	shalt  }
0x61: {  	_ =	shalt  }
0x62: {  	_ =	shalt  }
0x63: {  	_ =	shalt  }
0x64: {  	_ =	shalt  }
0x65: {  	_ =	shalt  }
0x66: {  	_ =	shalt  }
0x67: {  	_ =	shalt  }
0x68: {  	_ =	shalt  }
0x69: {  	_ =	shalt  }
0x6a: {  	_ =	shalt  }
0x6b: {  	_ =	shalt  }
0x6c: {  	_ =	shalt  }
0x6d: {  	_ =	shalt  }
0x6e: {  	_ =	shalt  }
0x6f: {  	_ =	shalt  }
0x70: {  	_ =	shalt  }
0x71: {  	_ =	shalt  }
0x72: {  	_ =	shalt  }
0x73: {  	_ =	shalt  }
0x74: {  	_ =	shalt  }
0x75: {  	_ =	shalt  }
0x76: {  	_ =	shalt  }
0x77: {  	_ =	shalt  }
0x78: {  	_ =	shalt  }
0x79: {  	_ =	shalt  }
0x7a: {  	_ =	shalt  }
0x7b: {  	_ =	shalt  }
0x7c: {  	_ =	shalt  }
0x7d: {  	_ =	shalt  }
0x7e: {  	_ =	shalt  }
0x7f: {  	_ =	shalt  }
0x80: {  	_ =	shalt  }
0x81: {  	_ =	shalt  }
0x82: {  	_ =	shalt  }
0x83: {  	_ =	shalt  }
0x84: {  	_ =	shalt  }
0x85: {  	_ =	shalt  }
0x86: {  	_ =	shalt  }
0x87: {  	_ =	shalt  }
.Lfunc_end0:
.L_simem_size_0:
called_computation_lowered:
.L_overlay_start_0:
0x88: {  	s2 =	sld [smem:$0x3FD9]  }
0x89: {  	s3 =	sld [smem:$0x3FFE];
	_ =	sdelay $0x1  }
0x8a: {  	s1 =	srdreg.scid  }
0x8b: {  	s0 =	sand.u32 $0x1, s1  }
0x8c: {  	s17 =	sshll.u32 s0, $0xA;
	s2 =	sadd.s32 s3, s2  }
0x8d: {  	s2 =	sadd.s32 s2, s17  }
0x8e: {  	[smem:$0x3FC4] =	sst s2  }
0x8f: {  	_ = 	snop  }
0x90: {  	s2 =	sld [smem:$0x3FD0];
	(tm) =	ssettm $0x1  }
0x91: {  	s18 =	sld [smem:$0x3FFB];
	_ =	sdelay $0x3  }
0x92: {  	_ =	strace s18  }
0x93: {  	s3 =	sld [smem:$0x3FFC];
	_ =	sdelay $0x3  }
0x94: {  	_ =	strace s3  }
0x95: {  	s3 =	sld [smem:$0x3FFD];
	_ =	sdelay $0x3  }
0x96: {  	_ =	strace s3  }
0x97: {  	_ =	strace $0x8FFFFFFF  }
0x98: {  	s19 =	sld [smem:$0x3FDB];
	_ =	sdelay $0x1  }
0x99: {  	s4 =	simm.s32 $_scs_section_size  }
0x9a: {  	s5 =	simm.s32 $_size__tile_overlayer_lowered;
	s6 =	simm.s32 $_tile_overlayer_lowered  }
0x9b: {  	s22 =	simm.s32 $0x1BFF;
	s21 =	sshll.u32 s6, $0x1;
	s3 =	sadd.s32 s4, s19  }
0x9c: {  	s7 =	simm.s32 $0x0;
	s20 =	sshll.u32 s5, $0x1;
	s5 =	sadd.s32 s21, s3  }
0x9d: {  	[timem:s7], [sflag:s22] =	dma.local [hbm:s5], s20  }
0x9e: {  	_ =	swait.ge [sflag:s22], s20  }
0x9f: {  	s4 =	ssub.s32 $0x0, s20;
	[sflag:s22] =	ssyncset.done $0x0  }
0xa0: {  	[sflag:s22] =	ssyncadd.s32 s4;
	_ =	sdelay $0x1  }
0xa1: {  	s23 =	simm.s32 $0x1B8B  }
0xa2: {  	_ =	swait.ge [sflag:s23], $0x1  }
0xa3: {  	[sflag:s23] =	ssyncset.done $0x0  }
0xa4: {  	s25 =	simm.s32 $0x1B8E;
	s24 =	sld [smem:$0x3FFE];
	[sflag:s23] =	ssyncadd.s32 $0xFFFFFFFF  }
0xa5: {  	s26 =	simm.s32 $execute0_lowered;
	[smem:$0x3FD2] =	sst s25  }
0xa6: {  	s5 =	sshll.u32 s26, $0x1;
	_ =	strace $0x80000046;
	[dreg:$0x1] =	wrdreg $0xFFFFFFFF  }
0xa7: {  	s28 =	simm.s32 $_size_execute0_lowered;
	s3 =	sadd.s32 s3, s5;
	[dreg:$0x0] =	wrdreg $0x0  }
0xa8: {  	s5 =	sshll.u32 s28, $0x1;
	[dreg:$0x2] =	wrdreg s3  }
0xa9: {  	[dreg:$0x3] =	wrdreg s5  }
0xaa: {  	[dreg:$0x4] =	wrdreg $0xC0  }
0xab: {  	_ =	task [dreg:s7], $0x5FFFF  }
0xac: {  	[dreg:$0x1] =	wrdreg $0xFFFFFFFF  }
0xad: {  	[dreg:$0x0] =	wrdreg $0x60  }
0xae: {  	[dreg:$0x2] =	wrdreg s24  }
0xaf: {  	[dreg:$0x3] =	wrdreg s2  }
0xb0: {  	[dreg:$0x4] =	wrdreg $0x0  }
0xb1: {  	[dreg:$0x5] =	wrdreg $0x9  }
0xb2: {  	_ =	task.clear_ibuf [dreg:s7], $0x6FFFF;
	_ =	strace $0x90000046  }
0xb3: {  	s29 =	simm.s32 $0x9;
	_ =	strace $0x80000048  }
0xb4: {  	_ =	swait.ge [sflag:s29], $0x1  }
0xb5: {  	[sflag:s29] =	ssyncadd.s32 $0xFFFFFFFF  }
0xb6: {  	_ =	strace $0x90000048  }
0xb7: {  	_ =	sfence  }
0xb8: {  	s30 =	sld [smem:$0x0];
	_ =	sdelay $0x2  }
0xb9: {  	s31 =	sshll.u32 s1, $0xD;
	s1 =	sshrl.u32 s1, $0x2  }
0xba: {  	s3 =	sand.u32 $0x4000, s31;
	s1 =	sadd.s32 s1, s30  }
0xbb: {  	s0 =	sor.u32 s3, s0;
	s1 =	sshll.u32 s1, $0x11  }
0xbc: {  	s0 =	sor.u32 s1, s0  }
0xbd: {  	s0 =	sadd.s32 $0x8F2B, s0  }
0xbe: {  	[sflag:s0] =	ssyncadd.remote.s32 $0x1  }
0xbf: {  	_ =	sfence.sel $0xFFFF  }
0xc0: {  	[dreg:$0x0] =	wrdreg $0xFFFFFFFF;
	(pc) =	sbr.abs _section_cstart, $3  }
0xc1: {  	[dreg:$0x1] =	wrdreg $0xFFFFFFFF  }
0xc2: {  	_ =	task.clear_ibuf [dreg:s7], $0x2FFFF;
	_ =	strace $0x9FFFFFFF  }
0xc3: {  	(tm) =	ssettm $0x7FFFFFFF  }
tec
execute0_lowered:
.L_overlay_start_1:
0x0: {  	(tag) =	ssettag $0x1  }
0x1: {  	s1 =	srdreg.scid  }
0x2: {  	s1 =	sand.u32 $0x1, s1  }
0x3: {  	p0 =	seq.s32 s1, $0x1  }
.Ltmp0:
0x4: {  	s3 =	rddreg [dreg:$0x0];
	(pc) =	sbr.rel @p0 .LBB2_6-.Ltmp0, $4  }
0x5: {  	s4 =	rddreg [dreg:$0x1]  }
0x6: {  	s2 =	rddreg [dreg:$0x2];
	s5 =	simm.s32 $0x0  }
0x7: {  	[smem:$0x7FF] =	sst s5  }
0x8: {  	s0 =	rddreg [dreg:$0x3];
	_ =	strace $0x80000047;
	s1 =	stileid.u32  }
0x9: {  	s5 =	smul.u32 $0x500, s1  }
0xa: {  	s6 =	smul.u32 $0x4E000, s1  }
0xb: {  	s7 =	smul.u32 $0x2700, s1  }
0xc: {  	s11 =	simm.s32 $0x0;
	s31 =	sshrl.u32 s6, $0x2  }
0xd: {  	s5 =	sadd.s32 s5, s3;
	s4 =	sadd.s32 s4, s7;
	s3 =	sadd.s32 s31, s2  }
0xe: {  	s6 =	simm.s32 $0x200;
	s5 =	sadd.s32 $0x1600, s5;
	s10 =	sadd.s32 $0x4000, s3  }
0xf: {  	v0 =	vimm.f32 $1.000000000e+00;
	v1 =	vimm.f32 $0.0e+00;
	s9 =	sadd.s32 $0x8000, s3;
	s8 =	sadd.s32 $0xC000, s3;
	s7 =	sadd.s32 $0x10000, s3  }
.LBB2_2:
0x10: {  	p0 =	sne.s32 s6, $0xFE00;
	[tilespmem:s11+$0x4F10] =	vst v0;
	s12 =	smov.u32 s6;
	s6 =	sadd.s32 $0x200, s6  }
.Ltmp1:
0x11: {  	[tilespmem:s11+$0x8F10] =	vst v1;
	(pc) =	sbr.rel @p0 .LBB2_2-.Ltmp1, $2  }
0x12: {  	_ =	sdelay $0x2  }
0x13: {  	s11 =	sshra.s32 s12, $0x2  }
0x14: {  	[tilespmem:s11+$0x4F10] =	vst v0  }
0x15: {  	[tilespmem:s11+$0x8F10] =	vst v1;
	s28 =	simm.s32 $0x8F10;
	s6 =	simm.s32 $0x1  }
0x16: {  	[spmem:s3] =	stream.linear.scatter [tilespmem:s28], [sflag:$0x1], $0x4000, $0x38;
	[tilespmem:$0xCF10] =	vst v63  }
0x17: {  	_ =	swait.ge [sflag:s6], $0x4000  }
0x18: {  	[sflag:s6] =	ssyncset.done $0x0  }
0x19: {  	[sflag:s6] =	ssyncadd.s32 $0xFFFFC000  }
0x1a: {  	[spmem:s10] =	stream.linear.scatter [tilespmem:s28], [sflag:$0x1], $0x4000, $0x38;
	[tilespmem:$0xCF10] =	vst v63  }
0x1b: {  	_ =	swait.ge [sflag:s6], $0x4000  }
0x1c: {  	[sflag:s6] =	ssyncset.done $0x0  }
0x1d: {  	[sflag:s6] =	ssyncadd.s32 $0xFFFFC000  }
0x1e: {  	[spmem:s9] =	stream.linear.scatter [tilespmem:s28], [sflag:$0x1], $0x4000, $0x38;
	[tilespmem:$0xCF10] =	vst v63  }
0x1f: {  	_ =	swait.ge [sflag:s6], $0x4000  }
0x20: {  	[sflag:s6] =	ssyncset.done $0x0  }
0x21: {  	[sflag:s6] =	ssyncadd.s32 $0xFFFFC000  }
0x22: {  	[spmem:s8] =	stream.linear.scatter [tilespmem:s28], [sflag:$0x1], $0x4000, $0x38;
	[tilespmem:$0xCF10] =	vst v63  }
0x23: {  	_ =	swait.ge [sflag:s6], $0x4000  }
0x24: {  	[sflag:s6] =	ssyncset.done $0x0  }
0x25: {  	[sflag:s6] =	ssyncadd.s32 $0xFFFFC000  }
0x26: {  	[spmem:s7] =	stream.linear.scatter [tilespmem:s28], [sflag:$0x1], $0x4000, $0x38;
	[tilespmem:$0xCF10] =	vst v63  }
0x27: {  	_ =	swait.ge [sflag:s6], $0x4000  }
0x28: {  	[sflag:s6] =	ssyncset.done $0x0  }
0x29: {  	[sflag:s6] =	ssyncadd.s32 $0xFFFFC000  }
0x2a: {  	s29 =	simm.s32 $0x0;
	s30 =	simm.s32 $0x2710;
	[bflag:$0x0] =	sbarrier.arrive $0xFFFF  }
0x2b: {  	[tilespmem:s30], [sflag:$0x1] =	stream.linear.gather [hbm4b:s5+s29], $0x2780, $0x38;
	[tilespmem:$0xCF10] =	vst v63  }
0x2c: {  	_ =	swait.ge [sflag:s6], $0x2780  }
0x2d: {  	s31 =	simm.s32 $0x2710;
	[sflag:s6] =	ssyncset.done $0x0  }
0x2e: {  	s7 =	simm.s32 $0x4F10;
	s5 =	simm.s32 $0x80;
	[sflag:s6] =	ssyncadd.s32 $0xFFFFD880  }
0x2f: {  	[spmem:s2] =	stream.indirect.scatter.add.f32 [tilespmem:s7], [sflag:$0x1], $0x10, s31, s5, $0xb8;
	[tilespmem:$0xCF10] =	vst v63  }
0x30: {  	s8 =	simm.s32 $0x200;
	_ =	swait.ge [sflag:s6], $0x800  }
.LBB2_4:
0x31: {  	s9 =	sshra.s32 s8, $0x2;
	[sflag:s6] =	ssyncset.done $0x0;
	p0 =	sne.s32 s8, $0x9A00  }
.Ltmp2:
0x32: {  	s9 =	sadd.s32 $0x2710, s9;
	[sflag:s6] =	ssyncadd.s32 $0xFFFFF800;
	(pc) =	sbr.rel @p0 .LBB2_4-.Ltmp2, $3  }
0x33: {  	[spmem:s2] =	stream.indirect.scatter.add.f32 [tilespmem:s7], [sflag:$0x1], $0x10, s9, s5, $0xb8;
	[tilespmem:$0xCF10] =	vst v63  }
0x34: {  	s8 =	sadd.s32 $0x200, s8;
	_ =	sdelay $0x1  }
0x35: {  	_ =	swait.ge [sflag:s6], $0x800  }
0x36: {  	[sflag:s6] =	ssyncset.done $0x0  }
0x37: {  	[sflag:s6] =	ssyncadd.s32 $0xFFFFF800  }
0x38: {  	v0 =	vld [tilespmem:$0x4E10];
	_ =	sdelay $0x6  }
0x39: {  	vm0 =	vmmov $0xffff;
	s5 =	simm.s32 $0x4F10;
	s30 =	simm.s32 $0x1  }
0x3a: {  	[spmem:s2] =	stream.indirect_vreg.scatter.add.f32 [tilespmem:s5], [sflag:$0x1], $0x10, v0, vm0, $0xb8;
	[tilespmem:$0xCF10] =	vst v63  }
0x3b: {  	_ =	swait.ge [sflag:s30], $0x100  }
0x3c: {  	[sflag:s30] =	ssyncset.done $0x0  }
0x3d: {  	s31 =	sshll.u32 s1, $0x6;
	[sflag:s30] =	ssyncadd.s32 $0xFFFFFF00  }
0x3e: {  	s3 =	sshrl.u32 s3, $0x3;
	s5 =	sor.u32 $0x1C01, s31;
	[bflag:$0x0] =	sbarrier.arrive $0xFFFF  }
0x3f: {  	[hbm:s4], [sflag:s5] =	dma.local [spmem:s3], $0x2800  }
0x40: {  	_ =	swait.ge [sflag:s30], $0x2800  }
0x41: {  	[sflag:s30] =	ssyncset.done $0x0  }
0x42: {  	[sflag:s30] =	ssyncadd.s32 $0xFFFFD800  }
.LBB2_6:
0x43: {  	_ =	sfence.sel $0x180000  }
0x44: {  	[bflag:$0x0] =	sbarrier.arrive $0xFFFF  }
0x45: {  	p0 =	sne.s32 s1, $0x0;
	_ =	strace $0x90000047  }
0x46: {  	s0 =	sadd.s32 @!p0 $0x100000, s0;
	[bflag:$0x2] =	sbarrier.arrive $0xFFFF  }
0x47: {  	[sflag:s0] =	ssyncadd.tile.s32 @!p0 $0x1;
	_ =	shalt  }
.Lfunc_end2:
_tile_overlayer_lowered:
.L_overlay_start_2:
0x48: {  	(tag) =	ssettag $0x2  }
0x49: {  	s0 =	rddreg [dreg:$0x0];
	s2 =	stileid.u32  }
0x4a: {  	s1 =	rddreg [dreg:$0x1];
	p0 =	sne.s32 s2, $0x0  }
0x4b: {  	s3 =	rddreg [dreg:$0x2];
	[bflag:$0x3] =	sbarrier.arrive $0xFFFF;
	s2 =	simm.s32 @!p0 $0x1C01  }
0x4c: {  	[timem:s3], [sflag:s2] =	dma.local @!p0 [hbm:s0], s1  }
0x4d: {  	s0 =	simm.s32 @!p0 $0x1  }
0x4e: {  	_ =	swait.ge @!p0 [sflag:s0], s1  }
0x4f: {  	s1 =	ssub.s32 @!p0 $0x0, s1;
	[sflag:s0] =	ssyncset.done @!p0 $0x0  }
0x50: {  	[sflag:s0] =	ssyncadd.s32 @!p0 s1  }
0x51: {  	[bflag:$0x3] =	sbarrier.arrive $0xFFFF  }
0x52: {  	_ =	shalt  }

// kernel: kernel.8.cloned.1.call-start
scs
__scs_entry_jumppad:
0x0: {  	(pc) =	sbr.rel $0x88, $3  }
0x1: {  	(tag) =	ssettag $0x0;
	lr =	simm.s32 $0x1  }
0x2: {  	[smem:$0x3F9D] =	sst lr;
	_ =	strace $0xD0000000  }
0x3: {  	_ = 	snop  }
0x4: {  	_ = 	snop  }
0x5: {  	_ = 	snop  }
0x6: {  	_ = 	snop  }
0x7: {  	_ = 	snop  }
__scs_overlays_trampoline_lowered:
0x8: {  	[smem:$0x3FAC] =	sst s0  }
0x9: {  	[smem:$0x3FAD] =	sst s1  }
0xa: {  	[smem:$0x3FAE] =	sst s2  }
0xb: {  	[smem:$0x3FAF] =	sst s3  }
0xc: {  	[smem:$0x3FB0] =	sst s4  }
0xd: {  	[smem:$0x3FB1] =	sst s5  }
0xe: {  	[smem:$0x3FB2] =	sst s6  }
0xf: {  	[smem:$0x3FB3] =	sst s7  }
0x10: {  	[smem:$0x3FB4] =	sst s8  }
0x11: {  	[smem:$0x3FB5] =	sst s9;
	s0 =	simm.s32 @!p0 $0x0  }
0x12: {  	s1 =	sld [smem:$0x3F9B];
	s0 =	simm.s32 @p0 $0x1  }
0x13: {  	[smem:$0x3FB6] =	sst s0;
	s0 =	simm.s32 @!p1 $0x0  }
0x14: {  	s2 =	sld [smem:$0x3F9A];
	s0 =	simm.s32 @p1 $0x1  }
0x15: {  	[smem:$0x3FB7] =	sst s0;
	s0 =	simm.s32 @!p2 $0x0  }
0x16: {  	s3 =	sld [smem:$0x3FDB];
	s0 =	simm.s32 @p2 $0x1  }
0x17: {  	s4 =	simm.s32 $0x1BF5;
	[smem:$0x3FB9] =	sst s0  }
0x18: {  	s0 =	sld [smem:$0x3F9C];
	_ =	swait.ge [sflag:s4], $0x0  }
0x19: {  	s7 =	sld [smem:$0x3F9D]  }
0x1a: {  	s8 =	sadd.s32 $0xFFFFE003, lr  }
0x1b: {  	s9 =	sadd.s32 $0xFFFFFEF7, lr;
	s5 =	simm.s32 $0xFFFFFFFF;
	p2 =	slt.u32 s8, $0xFFFFF086  }
0x1c: {  	p1 =	slt.u32 s9, $0xF7A;
	s5 =	simm.s32 @!p2 $0x0  }
0x1d: {  	s5 =	simm.s32 @p1 $0x1;
	p0 =	seq.s32 s7, s2  }
0x1e: {  	s7 =	smul.u32 @!p0 $0xF7A, s2;
	p2 =	seq.s32 @!p0 s5, $0x0  }
0x1f: {  	s9 =	smul.u32 $0xF7A, s1;
	s8 =	simm.s32 @!p0 $0x1BF5;
	p2 =	por !p2, p0  }
0x20: {  	[sflag:s8] =	ssyncset.s32 @!p0 $0xFFFFF086;
	s6 =	sadd.s32 @!p0 s3, s7;
	s7 =	simm.s32 @!p0 $0x108  }
0x21: {  	s3 =	sadd.s32 s3, s9;
	s6 =	sadd.s32 @!p0 $0x88, s6;
	s7 =	simm.s32 @p2 $0x1082  }
0x22: {  	[simem:s7], [sflag:s8] =	dma.local @!p0 [hbm:s6], $0xF7A  }
0x23: {  	s9 =	sor.u32 $0xD0000000, s2;
	s6 =	simm.s32 $0x108;
	_ =	swait.ge @!p0 [sflag:s8], $0x0  }
0x24: {  	s3 =	sadd.s32 $0x88, s3;
	s6 =	simm.s32 @!p1 $0x1082;
	[sflag:s4] =	ssyncset.s32 $0xFFFFF086  }
0x25: {  	[simem:s6], [sflag:s4] =	dma.local [hbm:s3], $0xF7A  }
0x26: {  	[smem:$0x3F9D] =	sst s1;
	(tag) =	ssettag s2;
	_ =	strace s9  }
0x27: {  	s1 =	sld [smem:$0x3FAD]  }
0x28: {  	s2 =	sld [smem:$0x3FAE]  }
0x29: {  	s4 =	sld [smem:$0x3FB0]  }
0x2a: {  	p0 =	seq.s32 s5, $0x0;
	s5 =	sld [smem:$0x3FB1]  }
0x2b: {  	s6 =	sld [smem:$0x3FB2]  }
0x2c: {  	s7 =	sld [smem:$0x3FB3]  }
0x2d: {  	s3 =	simm.s32 $0x108;
	s8 =	sld [smem:$0x3FB4]  }
0x2e: {  	s3 =	simm.s32 @!p0 $0x1082;
	s9 =	sld [smem:$0x3FB5]  }
0x2f: {  	lr =	sadd.s32 s0, s3;
	s0 =	sld [smem:$0x3FAC]  }
0x30: {  	s3 =	sld [smem:$0x3FAF]  }
0x31: {  	[smem:$0x3FB8] =	sst s10  }
0x32: {  	s10 =	sld [smem:$0x3FB6];
	_ =	sdelay $0x3  }
0x33: {  	p0 =	seq.s32 s10, $0x1;
	s10 =	sld [smem:$0x3FB8];
	_ =	sdelay $0x3  }
0x34: {  	[smem:$0x3FB8] =	sst s10  }
0x35: {  	s10 =	sld [smem:$0x3FB7];
	_ =	sdelay $0x3  }
0x36: {  	p1 =	seq.s32 s10, $0x1;
	s10 =	sld [smem:$0x3FB8];
	_ =	sdelay $0x3  }
0x37: {  	[smem:$0x3FB8] =	sst s10  }
0x38: {  	s10 =	sld [smem:$0x3FB9]  }
0x39: {  	_ = 	snop;
	(pc) =	sbr.ind lr, $3  }
0x3a: {  	_ = 	snop  }
0x3b: {  	_ = 	snop  }
0x3c: {  	p2 =	seq.s32 s10, $0x1;
	s10 =	sld [smem:$0x3FB8]  }
0x3d: {  	_ =	shalt  }
0x3e: {  	_ =	shalt  }
0x3f: {  	_ =	shalt  }
0x40: {  	_ =	shalt  }
0x41: {  	_ =	shalt  }
0x42: {  	_ =	shalt  }
0x43: {  	_ =	shalt  }
0x44: {  	_ =	shalt  }
0x45: {  	_ =	shalt  }
0x46: {  	_ =	shalt  }
0x47: {  	_ =	shalt  }
0x48: {  	_ =	shalt  }
0x49: {  	_ =	shalt  }
0x4a: {  	_ =	shalt  }
0x4b: {  	_ =	shalt  }
0x4c: {  	_ =	shalt  }
0x4d: {  	_ =	shalt  }
0x4e: {  	_ =	shalt  }
0x4f: {  	_ =	shalt  }
0x50: {  	_ =	shalt  }
0x51: {  	_ =	shalt  }
0x52: {  	_ =	shalt  }
0x53: {  	_ =	shalt  }
0x54: {  	_ =	shalt  }
0x55: {  	_ =	shalt  }
0x56: {  	_ =	shalt  }
0x57: {  	_ =	shalt  }
0x58: {  	_ =	shalt  }
0x59: {  	_ =	shalt  }
0x5a: {  	_ =	shalt  }
0x5b: {  	_ =	shalt  }
0x5c: {  	_ =	shalt  }
0x5d: {  	_ =	shalt  }
0x5e: {  	_ =	shalt  }
0x5f: {  	_ =	shalt  }
0x60: {  	_ =	shalt  }
0x61: {  	_ =	shalt  }
0x62: {  	_ =	shalt  }
0x63: {  	_ =	shalt  }
0x64: {  	_ =	shalt  }
0x65: {  	_ =	shalt  }
0x66: {  	_ =	shalt  }
0x67: {  	_ =	shalt  }
0x68: {  	_ =	shalt  }
0x69: {  	_ =	shalt  }
0x6a: {  	_ =	shalt  }
0x6b: {  	_ =	shalt  }
0x6c: {  	_ =	shalt  }
0x6d: {  	_ =	shalt  }
0x6e: {  	_ =	shalt  }
0x6f: {  	_ =	shalt  }
0x70: {  	_ =	shalt  }
0x71: {  	_ =	shalt  }
0x72: {  	_ =	shalt  }
0x73: {  	_ =	shalt  }
0x74: {  	_ =	shalt  }
0x75: {  	_ =	shalt  }
0x76: {  	_ =	shalt  }
0x77: {  	_ =	shalt  }
0x78: {  	_ =	shalt  }
0x79: {  	_ =	shalt  }
0x7a: {  	_ =	shalt  }
0x7b: {  	_ =	shalt  }
0x7c: {  	_ =	shalt  }
0x7d: {  	_ =	shalt  }
0x7e: {  	_ =	shalt  }
0x7f: {  	_ =	shalt  }
0x80: {  	_ =	shalt  }
0x81: {  	_ =	shalt  }
0x82: {  	_ =	shalt  }
0x83: {  	_ =	shalt  }
0x84: {  	_ =	shalt  }
0x85: {  	_ =	shalt  }
0x86: {  	_ =	shalt  }
0x87: {  	_ =	shalt  }
.Lfunc_end0:
.L_simem_size_0:
called_computation.1_lowered:
.L_overlay_start_0:
0x88: {  	s2 =	sld [smem:$0x3FD9]  }
0x89: {  	s3 =	sld [smem:$0x3FFE];
	_ =	sdelay $0x1  }
0x8a: {  	s1 =	srdreg.scid  }
0x8b: {  	s0 =	sand.u32 $0x1, s1  }
0x8c: {  	s17 =	sshll.u32 s0, $0xA;
	s2 =	sadd.s32 s3, s2  }
0x8d: {  	s2 =	sadd.s32 s2, s17  }
0x8e: {  	[smem:$0x3FC4] =	sst s2  }
0x8f: {  	_ = 	snop  }
0x90: {  	s2 =	sld [smem:$0x3FC6]  }
0x91: {  	s18 =	sld [smem:$0x3FD0];
	(tm) =	ssettm $0x1  }
0x92: {  	s4 =	sld [smem:$0x3FFB];
	_ =	sdelay $0x3  }
0x93: {  	_ =	strace s4  }
0x94: {  	s4 =	sld [smem:$0x3FFC];
	_ =	sdelay $0x3  }
0x95: {  	_ =	strace s4  }
0x96: {  	s4 =	sld [smem:$0x3FFD];
	_ =	sdelay $0x3  }
0x97: {  	_ =	strace s4  }
0x98: {  	_ =	strace $0x8FFFFFFF  }
0x99: {  	s19 =	sld [smem:$0x3FDB];
	_ =	sdelay $0x1  }
0x9a: {  	s5 =	simm.s32 $_scs_section_size  }
0x9b: {  	s6 =	simm.s32 $_size__tile_overlayer_lowered;
	s7 =	simm.s32 $_tile_overlayer_lowered  }
0x9c: {  	s22 =	simm.s32 $0x1BFF;
	s21 =	sshll.u32 s7, $0x1;
	s4 =	sadd.s32 s5, s19  }
0x9d: {  	s8 =	simm.s32 $0x0;
	s20 =	sshll.u32 s6, $0x1;
	s6 =	sadd.s32 s21, s4  }
0x9e: {  	[timem:s8], [sflag:s22] =	dma.local [hbm:s6], s20  }
0x9f: {  	_ =	swait.ge [sflag:s22], s20  }
0xa0: {  	s5 =	ssub.s32 $0x0, s20;
	[sflag:s22] =	ssyncset.done $0x0  }
0xa1: {  	[sflag:s22] =	ssyncadd.s32 s5;
	_ =	sdelay $0x1  }
0xa2: {  	s23 =	simm.s32 $0x1B8B  }
0xa3: {  	_ =	swait.ge [sflag:s23], $0x1  }
0xa4: {  	[sflag:s23] =	ssyncset.done $0x0  }
0xa5: {  	s25 =	simm.s32 $0x1B8E;
	s24 =	sld [smem:$0x3FFE];
	[sflag:s23] =	ssyncadd.s32 $0xFFFFFFFF  }
0xa6: {  	s26 =	simm.s32 $execute0_lowered;
	[smem:$0x3FD2] =	sst s25  }
0xa7: {  	s6 =	sshll.u32 s26, $0x1;
	_ =	strace $0x80000049;
	[dreg:$0x1] =	wrdreg $0xFFFFFFFF  }
0xa8: {  	s28 =	simm.s32 $_size_execute0_lowered;
	s4 =	sadd.s32 s4, s6;
	[dreg:$0x0] =	wrdreg $0x0  }
0xa9: {  	s6 =	sshll.u32 s28, $0x1;
	[dreg:$0x2] =	wrdreg s4  }
0xaa: {  	[dreg:$0x3] =	wrdreg s6  }
0xab: {  	[dreg:$0x4] =	wrdreg $0xC0  }
0xac: {  	_ =	task [dreg:s8], $0x5FFFF  }
0xad: {  	[dreg:$0x1] =	wrdreg $0xFFFFFFFF  }
0xae: {  	[dreg:$0x0] =	wrdreg $0x60  }
0xaf: {  	[dreg:$0x2] =	wrdreg s18  }
0xb0: {  	[dreg:$0x3] =	wrdreg s24  }
0xb1: {  	[dreg:$0x4] =	wrdreg s2  }
0xb2: {  	[dreg:$0x5] =	wrdreg $0x0  }
0xb3: {  	[dreg:$0x6] =	wrdreg $0x9  }
0xb4: {  	_ =	task.clear_ibuf [dreg:s8], $0x7FFFF;
	_ =	strace $0x90000049  }
0xb5: {  	s29 =	simm.s32 $0x9;
	_ =	strace $0x8000004B  }
0xb6: {  	_ =	swait.ge [sflag:s29], $0x1  }
0xb7: {  	[sflag:s29] =	ssyncadd.s32 $0xFFFFFFFF  }
0xb8: {  	_ =	strace $0x9000004B  }
0xb9: {  	_ =	sfence  }
0xba: {  	s30 =	sld [smem:$0x0];
	_ =	sdelay $0x2  }
0xbb: {  	s31 =	sshll.u32 s1, $0xD;
	s1 =	sshrl.u32 s1, $0x2  }
0xbc: {  	s3 =	sand.u32 $0x4000, s31;
	s1 =	sadd.s32 s1, s30  }
0xbd: {  	s0 =	sor.u32 s3, s0;
	s1 =	sshll.u32 s1, $0x11  }
0xbe: {  	s0 =	sor.u32 s1, s0  }
0xbf: {  	s0 =	sadd.s32 $0x8F2B, s0  }
0xc0: {  	[sflag:s0] =	ssyncadd.remote.s32 $0x1  }
0xc1: {  	_ =	sfence.sel $0xFFFF  }
0xc2: {  	[dreg:$0x0] =	wrdreg $0xFFFFFFFF;
	(pc) =	sbr.abs _section_cstart, $3  }
0xc3: {  	[dreg:$0x1] =	wrdreg $0xFFFFFFFF  }
0xc4: {  	_ =	task.clear_ibuf [dreg:s8], $0x2FFFF;
	_ =	strace $0x9FFFFFFF  }
0xc5: {  	(tm) =	ssettm $0x7FFFFFFF  }
tec
execute0_lowered:
.L_overlay_start_1:
0x0: {  	(tag) =	ssettag $0x1  }
0x1: {  	s1 =	rddreg [dreg:$0x0]  }
0x2: {  	s8 =	rddreg [dreg:$0x1]  }
0x3: {  	s11 =	rddreg [dreg:$0x2]  }
0x4: {  	s3 =	rddreg [dreg:$0x3]  }
0x5: {  	s0 =	rddreg [dreg:$0x4];
	s4 =	simm.s32 $0x0;
	s2 =	stileid.u32  }
0x6: {  	s5 =	srdreg.scid;
	s17 =	simm.s32 $0x13880;
	s6 =	smul.u32 $0x500, s2  }
0x7: {  	s18 =	simm.s32 $0x16080;
	s10 =	sand.u32 $0x1, s5;
	s5 =	smul.u32 $0x270, s2  }
0x8: {  	s19 =	simm.s32 $0x1F080;
	s20 =	simm.s32 $0x80;
	s14 =	smul.u32 $0x4E000, s2  }
0x9: {  	s21 =	simm.s32 $0x18880;
	s23 =	simm.s32 $0x1DC80;
	s29 =	smul.u32 $0x2700, s2  }
0xa: {  	s24 =	simm.s32 $0x0;
	[smem:$0x7FF] =	sst s4;
	s22 =	smul.u32 $0x2710, s10  }
0xb: {  	_ =	strace $0x8000004A;
	s9 =	ssub.s32 $0x2, s10;
	s7 =	smul.u32 $0x138800, s10  }
0xc: {  	s15 =	sshll.u32 s10, $0x4;
	s16 =	smul.u32 $0x27100, s10;
	s12 =	sadd.s32 s6, s8  }
0xd: {  	s6 =	sadd.s32 $0xB600, s8;
	s13 =	sshrl.u32 s9, $0x1;
	s8 =	sadd.s32 $0x32800, s8  }
0xe: {  	s11 =	sadd.s32 s11, s15;
	s30 =	sshrl.u32 s14, $0x2;
	s15 =	simm.s32 $0x1C880  }
0xf: {  	s13 =	ssub.s32 s9, s13;
	s9 =	sadd.s32 $0x6600, s12;
	s10 =	sadd.s32 $0x1600, s12  }
0x10: {  	s31 =	sadd.s32 s16, s1;
	s16 =	simm.s32 $0x2;
	v0 =	vmov s22;
	s22 =	simm.s32 $0x1  }
0x11: {  	vm0 =	vmmov $0xffff;
	s12 =	smax.u32 s13, $0x1;
	s13 =	sadd.s32 s30, s3;
	s14 =	sadd.s32 s29, s31  }
.LBB2_1:
0x12: {  	s25 =	sadd.s32 $0x0, s14  }
0x13: {  	[tilespmem:s15], [sflag:$0x2] =	stream.linear.gather [hbm4b:s25+s4], $0x1400, $0x38;
	[tilespmem:$0x1F100] =	vst v63  }
0x14: {  	_ =	swait.ge [sflag:s16], $0x1400  }
0x15: {  	[sflag:s16] =	ssyncset.done $0x0  }
0x16: {  	[sflag:s16] =	ssyncadd.s32 $0xFFFFEC00  }
0x17: {  	[spmem:s13] =	stream.linear.scatter [tilespmem:s15], [sflag:$0x2], $0x1400, $0x38;
	[tilespmem:$0x1F100] =	vst v63  }
0x18: {  	s26 =	simm.s32 $0x280;
	_ =	swait.ge [sflag:s16], $0x1400  }
0x19: {  	s28 =	simm.s32 $0x500;
	s25 =	sadd.s32 $0x1400, s13;
	[sflag:s16] =	ssyncset.done $0x0  }
.LBB2_2:
0x1a: {  	s29 =	sadd.s32 s26, s14  }
0x1b: {  	[sflag:s16] =	ssyncadd.s32 $0xFFFFEC00;
	s26 =	smov.u32 s28;
	s30 =	sadd.s32 $0x280, s28  }
0x1c: {  	[tilespmem:s15], [sflag:$0x2] =	stream.linear.gather [hbm4b:s29+s4], $0x1400, $0x38;
	[tilespmem:$0x1F100] =	vst v63  }
0x1d: {  	p0 =	sne.s32 s28, $0x2580;
	_ =	swait.ge [sflag:s16], $0x1400  }
.Ltmp0:
0x1e: {  	[sflag:s16] =	ssyncset.done $0x0;
	(pc) =	sbr.rel @p0 .LBB2_2-.Ltmp0, $4  }
0x1f: {  	[sflag:s16] =	ssyncadd.s32 $0xFFFFEC00  }
0x20: {  	[spmem:s25] =	stream.linear.scatter [tilespmem:s15], [sflag:$0x2], $0x1400, $0x38;
	[tilespmem:$0x1F100] =	vst v63  }
0x21: {  	_ =	swait.ge [sflag:s16], $0x1400  }
0x22: {  	s28 =	smov.u32 s30;
	s25 =	sadd.s32 $0x1400, s25;
	[sflag:s16] =	ssyncset.done $0x0  }
0x23: {  	s26 =	sadd.s32 s26, s14;
	[sflag:s16] =	ssyncadd.s32 $0xFFFFEC00  }
0x24: {  	[tilespmem:s15], [sflag:$0x2] =	stream.linear.gather [hbm4b:s26+s4], $0x1400, $0x38;
	[tilespmem:$0x1F100] =	vst v63  }
0x25: {  	_ =	swait.ge [sflag:s16], $0x1400  }
0x26: {  	[sflag:s16] =	ssyncset.done $0x0  }
0x27: {  	[sflag:s16] =	ssyncadd.s32 $0xFFFFEC00  }
0x28: {  	[spmem:s25] =	stream.linear.scatter [tilespmem:s15], [sflag:$0x2], $0x1400, $0x38;
	[tilespmem:$0x1F100] =	vst v63  }
0x29: {  	_ =	swait.ge [sflag:s16], $0x1400  }
0x2a: {  	[sflag:s16] =	ssyncset.done $0x0  }
0x2b: {  	s25 =	simm.s32 $0x0;
	[sflag:s16] =	ssyncadd.s32 $0xFFFFEC00  }
0x2c: {  	[tilespmem:s17], [sflag:$0x2] =	stream.linear.gather [hbm4b:s9+s25], $0x2780, $0x38;
	[tilespmem:$0x1F100] =	vst v63  }
0x2d: {  	_ =	swait.ge [sflag:s16], $0x2780  }
0x2e: {  	[sflag:s16] =	ssyncset.done $0x0  }
0x2f: {  	[sflag:s16] =	ssyncadd.s32 $0xFFFFD880  }
0x30: {  	[tilespmem:s18], [sflag:$0x2] =	stream.linear.gather [hbm4b:s10+s25], $0x2780, $0x38;
	[tilespmem:$0x1F100] =	vst v63  }
0x31: {  	s31 =	simm.s32 $0x0;
	_ =	swait.ge [sflag:s16], $0x2780  }
0x32: {  	s28 =	sand.u32 $0xFFFFFF80, s31;
	[sflag:s16] =	ssyncset.done $0x0  }
0x33: {  	s28 =	ssub.s32 $0x0, s28;
	[sflag:s16] =	ssyncadd.s32 $0xFFFFD880  }
0x34: {  	[tilespmem:s19], [sflag:$0x2] =	stream.linear.gather [hbm4b:s11+s25], $0x80, $0x38;
	[tilespmem:$0x1F100] =	vst v63  }
0x35: {  	s26 =	sand.u32 $0x3FFFFF80, s31;
	s28 =	sand.u32 $0xFFFFFF80, s28;
	_ =	swait.ge [sflag:s16], $0x80  }
0x36: {  	s26 =	sadd.s32 s28, s26;
	s29 =	sand.u32 $0x70, s25;
	[sflag:s16] =	ssyncset.done $0x0  }
0x37: {  	s26 =	sor.u32 s29, s26;
	[sflag:s16] =	ssyncadd.s32 $0xFFFFFF80  }
0x38: {  	v1 =	vld [tilespmem:s26+$0x13880]  }
0x39: {  	s28 =	simm.s32 $0x2;
	s29 =	simm.s32 $0x10  }
.LBB2_4:
0x3a: {  	p0 =	sne.s32 s28, $0x277;
	s30 =	sand.u32 $0xFFFFFF80, s29;
	s25 =	sadd.s32 $0x10, s25  }
0x3b: {  	s30 =	ssub.s32 s25, s30  }
.Ltmp1:
0x3c: {  	s29 =	sand.u32 $0x3FFFFF80, s29;
	s30 =	sand.u32 $0xFFFFFF80, s30;
	(pc) =	sbr.rel @p0 .LBB2_4-.Ltmp1, $4  }
0x3d: {  	s31 =	sand.u32 $0x70, s25;
	s29 =	sadd.s32 s30, s29;
	v1 =	vadd.s32 v0, v1  }
0x3e: {  	[tilespmem:s26+$0x13880] =	vst v1;
	s26 =	sor.u32 s31, s29  }
0x3f: {  	v1 =	vld [tilespmem:s26+$0x13880]  }
0x40: {  	s29 =	sshll.u32 s28, $0x4;
	s28 =	sadd.s32 $0x1, s28  }
0x41: {  	s28 =	sand.u32 $0xFFFFFF80, s29;
	s25 =	sadd.s32 $0x10, s25  }
0x42: {  	s28 =	ssub.s32 s25, s28  }
0x43: {  	s31 =	sand.u32 $0x3FFFFF80, s29;
	s28 =	sand.u32 $0xFFFFFF80, s28  }
0x44: {  	s25 =	sand.u32 $0x70, s25;
	s28 =	sadd.s32 s28, s31;
	v1 =	vadd.s32 v0, v1  }
0x45: {  	s25 =	sor.u32 s25, s28;
	[tilespmem:s26+$0x13880] =	vst v1  }
0x46: {  	v1 =	vld [tilespmem:s25+$0x13880];
	_ =	sdelay $0x4  }
0x47: {  	v1 =	vadd.s32 v0, v1  }
0x48: {  	[tilespmem:s25+$0x13880] =	vst v1  }
0x49: {  	s30 =	simm.s32 $0x13880;
	[bflag:$0x0] =	sbarrier.arrive $0xFFFF  }
0x4a: {  	[tilespmem:s21], [sflag:$0x1] =	stream.indirect.gather [hbm4b:s1+s20], $0x80, s30, s20, $0xb8;
	[tilespmem:$0x1F100] =	vst v63  }
0x4b: {  	_ =	swait.ge [sflag:s22], $0x4000  }
0x4c: {  	[sflag:s22] =	ssyncset.done $0x0  }
0x4d: {  	s31 =	simm.s32 $0x16080;
	[sflag:s22] =	ssyncadd.s32 $0xFFFFC000  }
0x4e: {  	[spmem:s3] =	stream.indirect.scatter.add.f32 [tilespmem:s21], [sflag:$0x2], $0x80, s31, s20, $0xb8;
	[tilespmem:$0x1F100] =	vst v63  }
0x4f: {  	_ =	swait.ge [sflag:s16], $0x4000  }
0x50: {  	s26 =	simm.s32 $0x400;
	s25 =	simm.s32 $0x80;
	[sflag:s16] =	ssyncset.done $0x0  }
.LBB2_6:
0x51: {  	s28 =	sadd.s32 $0x13880, s25  }
0x52: {  	[sflag:s16] =	ssyncadd.s32 $0xFFFFC000;
	s29 =	smov.u32 s26;
	s30 =	sadd.s32 $0x200, s26  }
0x53: {  	[tilespmem:s21], [sflag:$0x1] =	stream.indirect.gather [hbm4b:s1+s20], $0x80, s28, s20, $0xb8;
	[tilespmem:$0x1F100] =	vst v63  }
0x54: {  	p0 =	sne.s32 s26, $0x9A00;
	_ =	swait.ge [sflag:s22], $0x4000  }
.Ltmp2:
0x55: {  	[sflag:s22] =	ssyncset.done $0x0;
	(pc) =	sbr.rel @p0 .LBB2_6-.Ltmp2, $4  }
0x56: {  	s25 =	sadd.s32 $0x16080, s25;
	[sflag:s22] =	ssyncadd.s32 $0xFFFFC000  }
0x57: {  	[spmem:s3] =	stream.indirect.scatter.add.f32 [tilespmem:s21], [sflag:$0x2], $0x80, s25, s20, $0xb8;
	[tilespmem:$0x1F100] =	vst v63  }
0x58: {  	_ =	swait.ge [sflag:s16], $0x4000  }
0x59: {  	s26 =	smov.u32 s30;
	s25 =	sshra.s32 s29, $0x2;
	[sflag:s16] =	ssyncset.done $0x0  }
0x5a: {  	s26 =	sadd.s32 $0x13880, s25;
	[sflag:s16] =	ssyncadd.s32 $0xFFFFC000  }
0x5b: {  	[tilespmem:s21], [sflag:$0x1] =	stream.indirect.gather [hbm4b:s1+s20], $0x80, s26, s20, $0xb8;
	[tilespmem:$0x1F100] =	vst v63  }
0x5c: {  	_ =	swait.ge [sflag:s22], $0x4000  }
0x5d: {  	[sflag:s22] =	ssyncset.done $0x0  }
0x5e: {  	s31 =	sadd.s32 $0x16080, s25;
	[sflag:s22] =	ssyncadd.s32 $0xFFFFC000  }
0x5f: {  	[spmem:s3] =	stream.indirect.scatter.add.f32 [tilespmem:s21], [sflag:$0x2], $0x80, s31, s20, $0xb8;
	[tilespmem:$0x1F100] =	vst v63  }
0x60: {  	_ =	swait.ge [sflag:s16], $0x4000  }
0x61: {  	[sflag:s16] =	ssyncset.done $0x0  }
0x62: {  	[sflag:s16] =	ssyncadd.s32 $0xFFFFC000  }
0x63: {  	v1 =	vld [tilespmem:$0x15F80];
	_ =	sdelay $0x3  }
0x64: {  	v2 =	vld [tilespmem:$0x18780];
	_ =	sdelay $0x2  }
0x65: {  	s25 =	simm.s32 $0x0  }
0x66: {  	[tilespmem:s21], [sflag:$0x1] =	stream.indirect_vreg.gather [hbm4b:s1+s25], $0x80, v1, vm0, $0xb8;
	[tilespmem:$0x1F100] =	vst v63  }
0x67: {  	_ =	swait.ge [sflag:s22], $0x800  }
0x68: {  	[sflag:s22] =	ssyncset.done $0x0  }
0x69: {  	[sflag:s22] =	ssyncadd.s32 $0xFFFFF800  }
0x6a: {  	[spmem:s3] =	stream.indirect_vreg.scatter.add.f32 [tilespmem:s21], [sflag:$0x2], $0x80, v2, vm0, $0xb8;
	[tilespmem:$0x1F100] =	vst v63  }
0x6b: {  	_ =	swait.ge [sflag:s16], $0x800  }
0x6c: {  	[sflag:s16] =	ssyncset.done $0x0  }
0x6d: {  	[sflag:s16] =	ssyncadd.s32 $0xFFFFF800  }
0x6e: {  	[bflag:$0x0] =	sbarrier.arrive $0xFFFF  }
0x6f: {  	v1 =	vld [tilespmem:$0x1F080]  }
0x70: {  	v2 =	vld [tilespmem:$0x1F090]  }
0x71: {  	v3 =	vld [tilespmem:$0x1F0A0]  }
0x72: {  	v4 =	vld [tilespmem:$0x1F0B0]  }
0x73: {  	v5 =	vld [tilespmem:$0x1F0C0]  }
0x74: {  	v6 =	vld [tilespmem:$0x1F0D0]  }
0x75: {  	v7 =	vld [tilespmem:$0x1F0E0]  }
0x76: {  	s26 =	simm.s32 $0x0;
	v8 =	vld [tilespmem:$0x1F0F0]  }
.LBB2_8:
0x77: {  	s28 =	smul.u32 $0x28, s26;
	_ =	sdelay $0x1  }
0x78: {  	s29 =	sadd.s32 s5, s28  }
0x79: {  	s28 =	sshll.u32 s29, $0x7  }
0x7a: {  	s30 =	sand.u32 $0x3FFFFF80, s28  }
0x7b: {  	s30 =	sadd.s32 s30, s3  }
0x7c: {  	[tilespmem:s15], [sflag:$0x2] =	stream.linear.gather [spmem:s30], $0x1400, $0x38;
	[tilespmem:$0x1F100] =	vst v63  }
0x7d: {  	_ =	swait.ge [sflag:s16], $0x1400  }
0x7e: {  	s29 =	sshll.u32 s29, $0x4;
	[sflag:s16] =	ssyncset.done $0x0  }
0x7f: {  	s29 =	sadd.s32 s6, s29;
	[sflag:s16] =	ssyncadd.s32 $0xFFFFEC00  }
0x80: {  	[tilespmem:s23], [sflag:$0x2] =	stream.linear.gather [hbm4b:s29+s25], $0x1400, $0x38;
	[tilespmem:$0x1F100] =	vst v63  }
0x81: {  	_ =	swait.ge [sflag:s16], $0x1400  }
0x82: {  	[sflag:s16] =	ssyncset.done $0x0  }
0x83: {  	s29 =	simm.s32 $0x0;
	[sflag:s16] =	ssyncadd.s32 $0xFFFFEC00  }
0x84: {  	v9 =	vld [tilespmem:s29+$0x1DC80]  }
0x85: {  	v10 =	vld [tilespmem:s29+$0x1C880]  }
0x86: {  	v15 =	vld [tilespmem:s29+$0x1C890]  }
0x87: {  	v14 =	vld [tilespmem:s29+$0x1C8A0]  }
0x88: {  	v13 =	vld [tilespmem:s29+$0x1C8B0]  }
0x89: {  	v12 =	vld [tilespmem:s29+$0x1C8C0]  }
0x8a: {  	v11 =	vld [tilespmem:s29+$0x1C8D0];
	v16 =	vmul.f32 v10, v9  }
0x8b: {  	s30 =	simm.s32 $0x200;
	v15 =	vmul.f32 v15, v9;
	v10 =	vld [tilespmem:s29+$0x1C8E0]  }
.LBB2_9:
0x8c: {  	p0 =	sne.s32 s30, $0x4E00;
	v16 =	vadd.f32 v16, v1;
	v14 =	vmul.f32 v14, v9;
	v17 =	vld [tilespmem:s29+$0x1C8F0]  }
0x8d: {  	v15 =	vadd.f32 v15, v2;
	v13 =	vmul.f32 v13, v9  }
0x8e: {  	s31 =	sshra.s32 s30, $0x2;
	v16 =	vmax.f32 v16, $0.0e+00;
	v14 =	vadd.f32 v14, v3;
	v12 =	vmul.f32 v12, v9  }
0x8f: {  	v18 =	vld [tilespmem:s31+$0x1DC80];
	[tilespmem:s29+$0x1C880] =	vst v16;
	v15 =	vmax.f32 v15, $0.0e+00;
	v13 =	vadd.f32 v13, v4;
	v11 =	vmul.f32 v11, v9  }
0x90: {  	v16 =	vld [tilespmem:s31+$0x1C880];
	[tilespmem:s29+$0x1C890] =	vst v15;
	v14 =	vmax.f32 v14, $0.0e+00;
	v12 =	vadd.f32 v12, v5;
	v10 =	vmul.f32 v10, v9  }
0x91: {  	v15 =	vld [tilespmem:s31+$0x1C890];
	[tilespmem:s29+$0x1C8A0] =	vst v14;
	v13 =	vmax.f32 v13, $0.0e+00;
	v11 =	vadd.f32 v11, v6;
	v19 =	vmul.f32 v17, v9  }
.Ltmp3:
0x92: {  	v14 =	vld [tilespmem:s31+$0x1C8A0];
	[tilespmem:s29+$0x1C8B0] =	vst v13;
	v12 =	vmax.f32 v12, $0.0e+00;
	v10 =	vadd.f32 v10, v7;
	(pc) =	sbr.rel @p0 .LBB2_9-.Ltmp3, $4  }
0x93: {  	v13 =	vld [tilespmem:s31+$0x1C8B0];
	[tilespmem:s29+$0x1C8C0] =	vst v12;
	v11 =	vmax.f32 v11, $0.0e+00;
	v17 =	vadd.f32 v19, v8  }
0x94: {  	v12 =	vld [tilespmem:s31+$0x1C8C0];
	[tilespmem:s29+$0x1C8D0] =	vst v11;
	v10 =	vmax.f32 v10, $0.0e+00;
	v9 =	vmov v18  }
0x95: {  	v16 =	vmul.f32 v16, v9;
	v11 =	vld [tilespmem:s31+$0x1C8D0];
	[tilespmem:s29+$0x1C8E0] =	vst v10;
	v17 =	vmax.f32 v17, $0.0e+00  }
0x96: {  	s30 =	sadd.s32 $0x200, s30;
	v15 =	vmul.f32 v15, v9;
	v10 =	vld [tilespmem:s31+$0x1C8E0];
	[tilespmem:s29+$0x1C8F0] =	vst v17;
	s29 =	smov.u32 s31  }
0x97: {  	v16 =	vadd.f32 v16, v1;
	v14 =	vmul.f32 v14, v9;
	v17 =	vld [tilespmem:s29+$0x1C8F0]  }
0x98: {  	v15 =	vadd.f32 v15, v2;
	v13 =	vmul.f32 v13, v9  }
0x99: {  	v16 =	vmax.f32 v16, $0.0e+00;
	v14 =	vadd.f32 v14, v3;
	v12 =	vmul.f32 v12, v9  }
0x9a: {  	[tilespmem:s29+$0x1C880] =	vst v16;
	v15 =	vmax.f32 v15, $0.0e+00;
	v13 =	vadd.f32 v13, v4;
	v11 =	vmul.f32 v11, v9  }
0x9b: {  	[tilespmem:s29+$0x1C890] =	vst v15;
	v14 =	vmax.f32 v14, $0.0e+00;
	v12 =	vadd.f32 v12, v5;
	v10 =	vmul.f32 v10, v9  }
0x9c: {  	[tilespmem:s29+$0x1C8A0] =	vst v14;
	v13 =	vmax.f32 v13, $0.0e+00;
	v11 =	vadd.f32 v11, v6;
	v9 =	vmul.f32 v17, v9  }
0x9d: {  	[tilespmem:s29+$0x1C8B0] =	vst v13;
	v12 =	vmax.f32 v12, $0.0e+00;
	v10 =	vadd.f32 v10, v7  }
0x9e: {  	[tilespmem:s29+$0x1C8C0] =	vst v12;
	v11 =	vmax.f32 v11, $0.0e+00;
	v9 =	vadd.f32 v9, v8  }
0x9f: {  	s28 =	sadd.s32 s7, s28;
	s26 =	sadd.s32 $0x1, s26;
	[tilespmem:s29+$0x1C8D0] =	vst v11;
	v10 =	vmax.f32 v10, $0.0e+00  }
0xa0: {  	s28 =	sshrl.u32 s28, $0x3;
	p0 =	sne.s32 s26, $0x10;
	[tilespmem:s29+$0x1C8E0] =	vst v10;
	v9 =	vmax.f32 v9, $0.0e+00  }
.Ltmp4:
0xa1: {  	s28 =	sadd.s32 s8, s28;
	[tilespmem:s29+$0x1C8F0] =	vst v9;
	(pc) =	sbr.rel @p0 .LBB2_8-.Ltmp4, $4  }
0xa2: {  	[hbm4b:s28+s4] =	stream.linear.scatter [tilespmem:s15], [sflag:$0x2], $0x1400, $0x38;
	[tilespmem:$0x1F100] =	vst v63  }
0xa3: {  	_ =	swait.ge [sflag:s16], $0x1400  }
0xa4: {  	[sflag:s16] =	ssyncset.done $0x0  }
0xa5: {  	[sflag:s16] =	ssyncadd.s32 $0xFFFFEC00  }
0xa6: {  	s24 =	sadd.s32 $0x1, s24  }
0xa7: {  	p0 =	sne.s32 s24, s12  }
.Ltmp5:
0xa8: {  	_ = 	snop;
	(pc) =	sbr.rel @p0 .LBB2_1-.Ltmp5, $1  }
0xa9: {  	_ =	sdelay $0x3  }
0xaa: {  	_ =	sfence.sel $0x180000  }
0xab: {  	[bflag:$0x0] =	sbarrier.arrive $0xFFFF  }
0xac: {  	p0 =	sne.s32 s2, $0x0;
	_ =	strace $0x9000004A  }
0xad: {  	s0 =	sadd.s32 @!p0 $0x100000, s0;
	[bflag:$0x2] =	sbarrier.arrive $0xFFFF  }
0xae: {  	[sflag:s0] =	ssyncadd.tile.s32 @!p0 $0x1;
	_ =	shalt  }
.Lfunc_end2:
_tile_overlayer_lowered:
.L_overlay_start_2:
0xaf: {  	(tag) =	ssettag $0x2  }
0xb0: {  	s0 =	rddreg [dreg:$0x0];
	s2 =	stileid.u32  }
0xb1: {  	s1 =	rddreg [dreg:$0x1];
	p0 =	sne.s32 s2, $0x0  }
0xb2: {  	s3 =	rddreg [dreg:$0x2];
	[bflag:$0x3] =	sbarrier.arrive $0xFFFF;
	s2 =	simm.s32 @!p0 $0x1C02  }
0xb3: {  	[timem:s3], [sflag:s2] =	dma.local @!p0 [hbm:s0], s1  }
0xb4: {  	s0 =	simm.s32 @!p0 $0x2  }
0xb5: {  	_ =	swait.ge @!p0 [sflag:s0], s1  }
0xb6: {  	s1 =	ssub.s32 @!p0 $0x0, s1;
	[sflag:s0] =	ssyncset.done @!p0 $0x0  }
0xb7: {  	[sflag:s0] =	ssyncadd.s32 @!p0 s1  }
0xb8: {  	[bflag:$0x3] =	sbarrier.arrive $0xFFFF  }
0xb9: {  	_ =	shalt  }

</sc_bundles>
